<compile_context>
chip_gen: v7x
topology: tpu7x:2x2x1
jax: 0.10.2.dev20260603
libtpu: 0.0.44.dev20260713+nightly
codegen_flags: <defaults>
</compile_context>

<pallas_src>
import jax
import jax.numpy as jnp
from jax import lax
from jax.experimental import pallas as pl
from jax.experimental.pallas import tpu as pltpu
from jax.experimental.pallas import tpu_sc as plsc

DIM = 32
BATCH = 16384
HIST = 20
N = BATCH * HIST

NC = 2
NS = 16
NW = NC * NS

PER_W = N // NW
B_PER_W = BATCH // NW
SUB = 128
ROWS_PER_W = PER_W // SUB
B_CHUNK = 64
CHUNK = B_CHUNK * HIST
SUB_PER_CHUNK = CHUNK // SUB
NCHUNK = PER_W // CHUNK
L = 16


def _body(idx1_hbm, idx2_hbm, t1_hbm, t2_hbm, out_hbm,
          idx1_v, idx2_v, rows_v, trans_v, sem):
    c = lax.axis_index("c")
    s = lax.axis_index("s")
    wid = s * NC + c
    pltpu.sync_copy(idx1_hbm.at[wid], idx1_v)
    pltpu.sync_copy(idx2_hbm.at[wid], idx2_v)
    b_base = wid * B_PER_W

    iota = lax.iota(jnp.int32, L)

    def chunk_body(ci, _):
        descs = []
        for j in range(SUB_PER_CHUNK):
            row = ci * SUB_PER_CHUNK + j
            dst = pl.ds(j * SUB, SUB)
            descs.append(pltpu.async_copy(
                t1_hbm.at[idx1_v.at[row]], rows_v.at[dst], sem))
        for d in descs:
            d.wait()
        descs = []
        for j in range(SUB_PER_CHUNK):
            row = ci * SUB_PER_CHUNK + j
            dst = pl.ds(j * SUB, SUB)
            descs.append(pltpu.async_copy(
                t2_hbm.at[idx2_v.at[row]], rows_v.at[dst], sem, add=True))
        for d in descs:
            d.wait()

        def tr_body(b_loc, _):
            for h in range(HIST):
                l = b_loc * HIST + h
                h_vec = lax.full((L,), h, jnp.int32)
                b_vec = lax.full((L,), 0, jnp.int32) + b_loc
                for dblock in range(DIM // L):
                    x = rows_v[l, pl.ds(dblock * L, L)]
                    d_vec = dblock * L + iota
                    plsc.store_scatter(trans_v, [h_vec, d_vec, b_vec], x)
            return ()

        lax.fori_loop(0, B_CHUNK, tr_body, ())
        pltpu.sync_copy(
            trans_v.at[:, :, pl.ds(0, B_CHUNK)],
            out_hbm.at[:, :, pl.ds(b_base + ci * B_CHUNK, B_CHUNK)])
        return ()

    lax.fori_loop(0, NCHUNK, chunk_body, ())


def kernel(input, another_input, table1, table2):
    idx1 = input.reshape(-1).astype(jnp.int32).reshape(NW, ROWS_PER_W, SUB)
    idx2 = another_input.reshape(-1).astype(jnp.int32).reshape(NW, ROWS_PER_W, SUB)
    mesh = plsc.VectorSubcoreMesh(core_axis_name="c", subcore_axis_name="s")
    out5 = pl.kernel(
        _body,
        out_type=jax.ShapeDtypeStruct((HIST, DIM, BATCH), jnp.float32),
        mesh=mesh,
        compiler_params=pltpu.CompilerParams(
            use_tc_tiling_on_sc=False, needs_layout_passes=False),
        scratch_types=[
            pltpu.VMEM((ROWS_PER_W, SUB), jnp.int32),
            pltpu.VMEM((ROWS_PER_W, SUB), jnp.int32),
            pltpu.VMEM((CHUNK, DIM), jnp.float32),
            pltpu.VMEM((HIST, DIM, B_CHUNK + 1), jnp.float32),
            pltpu.SemaphoreType.DMA,
        ],
    )(idx1, idx2, table1, table2)
    return out5.transpose(2, 0, 1)

# --- scband reference (transcript-rebuilt; emitter-appended) ---
"""Pipeline reference for scband-text-module-27453430956468 (READ-ONLY COPY).

The authoritative reference and input builder live on the scoring server;
editing this copy changes nothing except your own understanding.
"""

import jax, jax.numpy as jnp
import numpy as np

NUM_EMBEDDINGS = 1000000
EMBEDDING_DIM = 32
BATCH = 16384
HIST = 20

def setup_inputs(seed: int = 0) -> dict:
    key = jax.random.key(seed)
    k1, k2, k3, k4 = jax.random.split(key, 4)
    input_ids = jax.random.randint(k1, (BATCH, HIST), 0, NUM_EMBEDDINGS, dtype=jnp.int64 if jax.config.jax_enable_x64 else jnp.int32)
    another_ids = jax.random.randint(k2, (BATCH, HIST), 0, NUM_EMBEDDINGS, dtype=jnp.int64 if jax.config.jax_enable_x64 else jnp.int32)
    # nn.Embedding default init: N(0, 1)
    table1 = jax.random.normal(k3, (NUM_EMBEDDINGS, EMBEDDING_DIM), dtype=jnp.float32)
    table2 = jax.random.normal(k4, (NUM_EMBEDDINGS, EMBEDDING_DIM), dtype=jnp.float32)
    return {"input": input_ids, "another_input": another_ids, "table1": table1, "table2": table2}

def reference(input, another_input, table1, table2):
    # embedding = inner_embedding(input)
    embedding = jnp.take(table1, input, axis=0)
    # second_embedding=True, another_input provided -> lookup in table2 with another_input
    another_embedding = jnp.take(table2, another_input, axis=0)
    # another_input is not None -> return sum
    return embedding + another_embedding

if __name__ == "__main__":
    import jax
    _d = setup_inputs()
    print(jax.jit(kernel)(*tuple(_d.values())))

</pallas_src>

<mosaic_0001>
#map = affine_map<(d0, d1) -> (0, 0, 0)>
#map1 = affine_map<(d0, d1) -> (0, 0)>
module attributes {stable_mosaic.version = 14 : i64} {
  func.func @_body(%arg0: i32, %arg1: i32, %arg2: memref<32x80x128xi32, #tpu.memory_space<hbm>>, %arg3: memref<32x80x128xi32, #tpu.memory_space<hbm>>, %arg4: memref<1000000x32xf32, #tpu.memory_space<hbm>>, %arg5: memref<1000000x32xf32, #tpu.memory_space<hbm>>, %arg6: memref<20x32x16384xf32, #tpu.memory_space<hbm>>, %arg7: memref<80x128xi32, #tpu.memory_space<vmem>>, %arg8: memref<80x128xi32, #tpu.memory_space<vmem>>, %arg9: memref<1280x32xf32, #tpu.memory_space<vmem>>, %arg10: memref<20x32x65xf32, #tpu.memory_space<vmem>>, %arg11: memref<!tpu.dma_semaphore, #tpu.memory_space<semaphore_mem>>) attributes {dimension_semantics = [#tpu.dimension_semantics<core_parallel>, #tpu.dimension_semantics<subcore_parallel>], iteration_bounds = array<i64: 2, 16>, scalar_prefetch = 0 : i64, scratch_operands = 5 : i64, tpu.core_type = #tpu.core_type<sc_vector_subcore>, window_params = [{transform_indices = #map}, {transform_indices = #map}, {transform_indices = #map1}, {transform_indices = #map1}, {transform_indices = #map}]} {
    %mul3A = arith.constant 2 : i32
    %mul3A_0 = arith.muli %arg1, %mul3A : i32
    %add3A = arith.addi %mul3A_0, %arg0 : i32
    "tpu.region"() ({
      %run_scoped3A = tpu.sem_alloc : memref<!tpu.dma_semaphore, #tpu.memory_space<semaphore_mem>>
      %dma_start3A = arith.constant 0 : i32
      %dma_start3A_7 = arith.constant 0 : i32
      %dma_start3A_8 = tpu.memref_slice %arg2[%add3A, %dma_start3A, %dma_start3A_7] : memref<32x80x128xi32, #tpu.memory_space<hbm>> -> memref<1x80x128xi32, #tpu.memory_space<hbm>>
      %dma_start3A_9 = tpu.memref_squeeze %dma_start3A_8 : memref<1x80x128xi32, #tpu.memory_space<hbm>> -> memref<80x128xi32, #tpu.memory_space<hbm>>
      %dma_start3A_10 = arith.constant 0 : i32
      %dma_start3A_11 = arith.constant 0 : i32
      %dma_start3A_12 = tpu.memref_slice %arg2[%add3A, %dma_start3A_10, %dma_start3A_11] : memref<32x80x128xi32, #tpu.memory_space<hbm>> -> memref<1x80x128xi32, #tpu.memory_space<hbm>>
      %dma_start3A_13 = tpu.memref_squeeze %dma_start3A_12 : memref<1x80x128xi32, #tpu.memory_space<hbm>> -> memref<80x128xi32, #tpu.memory_space<hbm>>
      tpu.enqueue_dma source(%dma_start3A_13 : memref<80x128xi32, #tpu.memory_space<hbm>>) target(%arg7 : memref<80x128xi32, #tpu.memory_space<vmem>>) target_semaphore(%run_scoped3A : memref<!tpu.dma_semaphore, #tpu.memory_space<semaphore_mem>>)
      %dma_wait3A = arith.constant 0 : i32
      %dma_wait3A_14 = arith.constant 0 : i32
      %dma_wait3A_15 = tpu.memref_slice %arg2[%add3A, %dma_wait3A, %dma_wait3A_14] : memref<32x80x128xi32, #tpu.memory_space<hbm>> -> memref<1x80x128xi32, #tpu.memory_space<hbm>>
      %dma_wait3A_16 = tpu.memref_squeeze %dma_wait3A_15 : memref<1x80x128xi32, #tpu.memory_space<hbm>> -> memref<80x128xi32, #tpu.memory_space<hbm>>
      %dma_wait3A_17 = arith.constant 0 : i32
      %dma_wait3A_18 = arith.constant 0 : i32
      %dma_wait3A_19 = tpu.memref_slice %arg2[%add3A, %dma_wait3A_17, %dma_wait3A_18] : memref<32x80x128xi32, #tpu.memory_space<hbm>> -> memref<1x80x128xi32, #tpu.memory_space<hbm>>
      %dma_wait3A_20 = tpu.memref_squeeze %dma_wait3A_19 : memref<1x80x128xi32, #tpu.memory_space<hbm>> -> memref<80x128xi32, #tpu.memory_space<hbm>>
      tpu.wait_dma2 semaphore(%run_scoped3A : memref<!tpu.dma_semaphore, #tpu.memory_space<semaphore_mem>>) src(%dma_wait3A_20 : memref<80x128xi32, #tpu.memory_space<hbm>>) dst(%arg7 : memref<80x128xi32, #tpu.memory_space<vmem>>)
      tpu.yield
    }) : () -> ()
    "tpu.region"() ({
      %run_scoped3A = tpu.sem_alloc : memref<!tpu.dma_semaphore, #tpu.memory_space<semaphore_mem>>
      %dma_start3A = arith.constant 0 : i32
      %dma_start3A_7 = arith.constant 0 : i32
      %dma_start3A_8 = tpu.memref_slice %arg3[%add3A, %dma_start3A, %dma_start3A_7] : memref<32x80x128xi32, #tpu.memory_space<hbm>> -> memref<1x80x128xi32, #tpu.memory_space<hbm>>
      %dma_start3A_9 = tpu.memref_squeeze %dma_start3A_8 : memref<1x80x128xi32, #tpu.memory_space<hbm>> -> memref<80x128xi32, #tpu.memory_space<hbm>>
      %dma_start3A_10 = arith.constant 0 : i32
      %dma_start3A_11 = arith.constant 0 : i32
      %dma_start3A_12 = tpu.memref_slice %arg3[%add3A, %dma_start3A_10, %dma_start3A_11] : memref<32x80x128xi32, #tpu.memory_space<hbm>> -> memref<1x80x128xi32, #tpu.memory_space<hbm>>
      %dma_start3A_13 = tpu.memref_squeeze %dma_start3A_12 : memref<1x80x128xi32, #tpu.memory_space<hbm>> -> memref<80x128xi32, #tpu.memory_space<hbm>>
      tpu.enqueue_dma source(%dma_start3A_13 : memref<80x128xi32, #tpu.memory_space<hbm>>) target(%arg8 : memref<80x128xi32, #tpu.memory_space<vmem>>) target_semaphore(%run_scoped3A : memref<!tpu.dma_semaphore, #tpu.memory_space<semaphore_mem>>)
      %dma_wait3A = arith.constant 0 : i32
      %dma_wait3A_14 = arith.constant 0 : i32
      %dma_wait3A_15 = tpu.memref_slice %arg3[%add3A, %dma_wait3A, %dma_wait3A_14] : memref<32x80x128xi32, #tpu.memory_space<hbm>> -> memref<1x80x128xi32, #tpu.memory_space<hbm>>
      %dma_wait3A_16 = tpu.memref_squeeze %dma_wait3A_15 : memref<1x80x128xi32, #tpu.memory_space<hbm>> -> memref<80x128xi32, #tpu.memory_space<hbm>>
      %dma_wait3A_17 = arith.constant 0 : i32
      %dma_wait3A_18 = arith.constant 0 : i32
      %dma_wait3A_19 = tpu.memref_slice %arg3[%add3A, %dma_wait3A_17, %dma_wait3A_18] : memref<32x80x128xi32, #tpu.memory_space<hbm>> -> memref<1x80x128xi32, #tpu.memory_space<hbm>>
      %dma_wait3A_20 = tpu.memref_squeeze %dma_wait3A_19 : memref<1x80x128xi32, #tpu.memory_space<hbm>> -> memref<80x128xi32, #tpu.memory_space<hbm>>
      tpu.wait_dma2 semaphore(%run_scoped3A : memref<!tpu.dma_semaphore, #tpu.memory_space<semaphore_mem>>) src(%dma_wait3A_20 : memref<80x128xi32, #tpu.memory_space<hbm>>) dst(%arg8 : memref<80x128xi32, #tpu.memory_space<vmem>>)
      tpu.yield
    }) : () -> ()
    %mul3A_1 = arith.constant 512 : i32
    %mul3A_2 = arith.muli %add3A, %mul3A_1 : i32
    %iota3A = tpu.iota {dimensions = array<i32: 0>} : vector<16xi32>
    %scan3A = arith.constant 0 : i32
    %scan3A_3 = arith.constant 8 : i32
    %scan3A_4 = arith.addi %scan3A, %scan3A_3 : i32
    %scan3A_5 = arith.constant 1 : i32
    scf.for %scan3A_7 = %scan3A to %scan3A_4 step %scan3A_5  : i32 {
      %mul3A_8 = arith.constant 10 : i32
      %mul3A_9 = arith.muli %scan3A_7, %mul3A_8 : i32
      %add3A_10 = arith.constant 0 : i32
      %add3A_11 = arith.addi %mul3A_9, %add3A_10 : i32
      %dma_start3A = arith.constant 0 : i32
      %dma_start3A_12 = arith.constant 0 : i32
      %dma_start3A_13 = tpu.memref_slice %arg9[%dma_start3A, %dma_start3A_12] : memref<1280x32xf32, #tpu.memory_space<vmem>> -> memref<128x32xf32, #tpu.memory_space<vmem>>
      %dma_start3A_14 = arith.constant 0 : i32
      %dma_start3A_15 = tpu.memref_slice %arg7[%add3A_11, %dma_start3A_14] : memref<80x128xi32, #tpu.memory_space<vmem>> -> memref<1x128xi32, #tpu.memory_space<vmem>>
      %dma_start3A_16 = tpu.memref_squeeze %dma_start3A_15 : memref<1x128xi32, #tpu.memory_space<vmem>> -> memref<128xi32, #tpu.memory_space<vmem>>
      %dma_start3A_17 = arith.constant 0 : i32
      %dma_start3A_18 = arith.constant 0 : i32
      %dma_start3A_19 = tpu.memref_slice %arg4[%dma_start3A_17, %dma_start3A_18] : memref<1000000x32xf32, #tpu.memory_space<hbm>> -> memref<1000000x32xf32, #tpu.memory_space<hbm>>
      tpu.enqueue_indirect_dma source(%dma_start3A_19 : memref<1000000x32xf32, #tpu.memory_space<hbm>>) target(%dma_start3A_13 : memref<128x32xf32, #tpu.memory_space<vmem>>) offsets(%dma_start3A_16 : memref<128xi32, #tpu.memory_space<vmem>>) semaphore(%arg11 : memref<!tpu.dma_semaphore, #tpu.memory_space<semaphore_mem>>)
      %mul3A_20 = arith.constant 10 : i32
      %mul3A_21 = arith.muli %scan3A_7, %mul3A_20 : i32
      %add3A_22 = arith.constant 1 : i32
      %add3A_23 = arith.addi %mul3A_21, %add3A_22 : i32
      %dma_start3A_24 = arith.constant 128 : i32
      %dma_start3A_25 = arith.constant 0 : i32
      %dma_start3A_26 = tpu.memref_slice %arg9[%dma_start3A_24, %dma_start3A_25] : memref<1280x32xf32, #tpu.memory_space<vmem>> -> memref<128x32xf32, #tpu.memory_space<vmem>>
      %dma_start3A_27 = arith.constant 0 : i32
      %dma_start3A_28 = tpu.memref_slice %arg7[%add3A_23, %dma_start3A_27] : memref<80x128xi32, #tpu.memory_space<vmem>> -> memref<1x128xi32, #tpu.memory_space<vmem>>
      %dma_start3A_29 = tpu.memref_squeeze %dma_start3A_28 : memref<1x128xi32, #tpu.memory_space<vmem>> -> memref<128xi32, #tpu.memory_space<vmem>>
      %dma_start3A_30 = arith.constant 0 : i32
      %dma_start3A_31 = arith.constant 0 : i32
      %dma_start3A_32 = tpu.memref_slice %arg4[%dma_start3A_30, %dma_start3A_31] : memref<1000000x32xf32, #tpu.memory_space<hbm>> -> memref<1000000x32xf32, #tpu.memory_space<hbm>>
      tpu.enqueue_indirect_dma source(%dma_start3A_32 : memref<1000000x32xf32, #tpu.memory_space<hbm>>) target(%dma_start3A_26 : memref<128x32xf32, #tpu.memory_space<vmem>>) offsets(%dma_start3A_29 : memref<128xi32, #tpu.memory_space<vmem>>) semaphore(%arg11 : memref<!tpu.dma_semaphore, #tpu.memory_space<semaphore_mem>>)
      %mul3A_33 = arith.constant 10 : i32
      %mul3A_34 = arith.muli %scan3A_7, %mul3A_33 : i32
      %add3A_35 = arith.constant 2 : i32
      %add3A_36 = arith.addi %mul3A_34, %add3A_35 : i32
      %dma_start3A_37 = arith.constant 256 : i32
      %dma_start3A_38 = arith.constant 0 : i32
      %dma_start3A_39 = tpu.memref_slice %arg9[%dma_start3A_37, %dma_start3A_38] : memref<1280x32xf32, #tpu.memory_space<vmem>> -> memref<128x32xf32, #tpu.memory_space<vmem>>
      %dma_start3A_40 = arith.constant 0 : i32
      %dma_start3A_41 = tpu.memref_slice %arg7[%add3A_36, %dma_start3A_40] : memref<80x128xi32, #tpu.memory_space<vmem>> -> memref<1x128xi32, #tpu.memory_space<vmem>>
      %dma_start3A_42 = tpu.memref_squeeze %dma_start3A_41 : memref<1x128xi32, #tpu.memory_space<vmem>> -> memref<128xi32, #tpu.memory_space<vmem>>
      %dma_start3A_43 = arith.constant 0 : i32
      %dma_start3A_44 = arith.constant 0 : i32
      %dma_start3A_45 = tpu.memref_slice %arg4[%dma_start3A_43, %dma_start3A_44] : memref<1000000x32xf32, #tpu.memory_space<hbm>> -> memref<1000000x32xf32, #tpu.memory_space<hbm>>
      tpu.enqueue_indirect_dma source(%dma_start3A_45 : memref<1000000x32xf32, #tpu.memory_space<hbm>>) target(%dma_start3A_39 : memref<128x32xf32, #tpu.memory_space<vmem>>) offsets(%dma_start3A_42 : memref<128xi32, #tpu.memory_space<vmem>>) semaphore(%arg11 : memref<!tpu.dma_semaphore, #tpu.memory_space<semaphore_mem>>)
      %mul3A_46 = arith.constant 10 : i32
      %mul3A_47 = arith.muli %scan3A_7, %mul3A_46 : i32
      %add3A_48 = arith.constant 3 : i32
      %add3A_49 = arith.addi %mul3A_47, %add3A_48 : i32
      %dma_start3A_50 = arith.constant 384 : i32
      %dma_start3A_51 = arith.constant 0 : i32
      %dma_start3A_52 = tpu.memref_slice %arg9[%dma_start3A_50, %dma_start3A_51] : memref<1280x32xf32, #tpu.memory_space<vmem>> -> memref<128x32xf32, #tpu.memory_space<vmem>>
      %dma_start3A_53 = arith.constant 0 : i32
      %dma_start3A_54 = tpu.memref_slice %arg7[%add3A_49, %dma_start3A_53] : memref<80x128xi32, #tpu.memory_space<vmem>> -> memref<1x128xi32, #tpu.memory_space<vmem>>
      %dma_start3A_55 = tpu.memref_squeeze %dma_start3A_54 : memref<1x128xi32, #tpu.memory_space<vmem>> -> memref<128xi32, #tpu.memory_space<vmem>>
      %dma_start3A_56 = arith.constant 0 : i32
      %dma_start3A_57 = arith.constant 0 : i32
      %dma_start3A_58 = tpu.memref_slice %arg4[%dma_start3A_56, %dma_start3A_57] : memref<1000000x32xf32, #tpu.memory_space<hbm>> -> memref<1000000x32xf32, #tpu.memory_space<hbm>>
      tpu.enqueue_indirect_dma source(%dma_start3A_58 : memref<1000000x32xf32, #tpu.memory_space<hbm>>) target(%dma_start3A_52 : memref<128x32xf32, #tpu.memory_space<vmem>>) offsets(%dma_start3A_55 : memref<128xi32, #tpu.memory_space<vmem>>) semaphore(%arg11 : memref<!tpu.dma_semaphore, #tpu.memory_space<semaphore_mem>>)
      %mul3A_59 = arith.constant 10 : i32
      %mul3A_60 = arith.muli %scan3A_7, %mul3A_59 : i32
      %add3A_61 = arith.constant 4 : i32
      %add3A_62 = arith.addi %mul3A_60, %add3A_61 : i32
      %dma_start3A_63 = arith.constant 512 : i32
      %dma_start3A_64 = arith.constant 0 : i32
      %dma_start3A_65 = tpu.memref_slice %arg9[%dma_start3A_63, %dma_start3A_64] : memref<1280x32xf32, #tpu.memory_space<vmem>> -> memref<128x32xf32, #tpu.memory_space<vmem>>
      %dma_start3A_66 = arith.constant 0 : i32
      %dma_start3A_67 = tpu.memref_slice %arg7[%add3A_62, %dma_start3A_66] : memref<80x128xi32, #tpu.memory_space<vmem>> -> memref<1x128xi32, #tpu.memory_space<vmem>>
      %dma_start3A_68 = tpu.memref_squeeze %dma_start3A_67 : memref<1x128xi32, #tpu.memory_space<vmem>> -> memref<128xi32, #tpu.memory_space<vmem>>
      %dma_start3A_69 = arith.constant 0 : i32
      %dma_start3A_70 = arith.constant 0 : i32
      %dma_start3A_71 = tpu.memref_slice %arg4[%dma_start3A_69, %dma_start3A_70] : memref<1000000x32xf32, #tpu.memory_space<hbm>> -> memref<1000000x32xf32, #tpu.memory_space<hbm>>
      tpu.enqueue_indirect_dma source(%dma_start3A_71 : memref<1000000x32xf32, #tpu.memory_space<hbm>>) target(%dma_start3A_65 : memref<128x32xf32, #tpu.memory_space<vmem>>) offsets(%dma_start3A_68 : memref<128xi32, #tpu.memory_space<vmem>>) semaphore(%arg11 : memref<!tpu.dma_semaphore, #tpu.memory_space<semaphore_mem>>)
      %mul3A_72 = arith.constant 10 : i32
      %mul3A_73 = arith.muli %scan3A_7, %mul3A_72 : i32
      %add3A_74 = arith.constant 5 : i32
      %add3A_75 = arith.addi %mul3A_73, %add3A_74 : i32
      %dma_start3A_76 = arith.constant 640 : i32
      %dma_start3A_77 = arith.constant 0 : i32
      %dma_start3A_78 = tpu.memref_slice %arg9[%dma_start3A_76, %dma_start3A_77] : memref<1280x32xf32, #tpu.memory_space<vmem>> -> memref<128x32xf32, #tpu.memory_space<vmem>>
      %dma_start3A_79 = arith.constant 0 : i32
      %dma_start3A_80 = tpu.memref_slice %arg7[%add3A_75, %dma_start3A_79] : memref<80x128xi32, #tpu.memory_space<vmem>> -> memref<1x128xi32, #tpu.memory_space<vmem>>
      %dma_start3A_81 = tpu.memref_squeeze %dma_start3A_80 : memref<1x128xi32, #tpu.memory_space<vmem>> -> memref<128xi32, #tpu.memory_space<vmem>>
      %dma_start3A_82 = arith.constant 0 : i32
      %dma_start3A_83 = arith.constant 0 : i32
      %dma_start3A_84 = tpu.memref_slice %arg4[%dma_start3A_82, %dma_start3A_83] : memref<1000000x32xf32, #tpu.memory_space<hbm>> -> memref<1000000x32xf32, #tpu.memory_space<hbm>>
      tpu.enqueue_indirect_dma source(%dma_start3A_84 : memref<1000000x32xf32, #tpu.memory_space<hbm>>) target(%dma_start3A_78 : memref<128x32xf32, #tpu.memory_space<vmem>>) offsets(%dma_start3A_81 : memref<128xi32, #tpu.memory_space<vmem>>) semaphore(%arg11 : memref<!tpu.dma_semaphore, #tpu.memory_space<semaphore_mem>>)
      %mul3A_85 = arith.constant 10 : i32
      %mul3A_86 = arith.muli %scan3A_7, %mul3A_85 : i32
      %add3A_87 = arith.constant 6 : i32
      %add3A_88 = arith.addi %mul3A_86, %add3A_87 : i32
      %dma_start3A_89 = arith.constant 768 : i32
      %dma_start3A_90 = arith.constant 0 : i32
      %dma_start3A_91 = tpu.memref_slice %arg9[%dma_start3A_89, %dma_start3A_90] : memref<1280x32xf32, #tpu.memory_space<vmem>> -> memref<128x32xf32, #tpu.memory_space<vmem>>
      %dma_start3A_92 = arith.constant 0 : i32
      %dma_start3A_93 = tpu.memref_slice %arg7[%add3A_88, %dma_start3A_92] : memref<80x128xi32, #tpu.memory_space<vmem>> -> memref<1x128xi32, #tpu.memory_space<vmem>>
      %dma_start3A_94 = tpu.memref_squeeze %dma_start3A_93 : memref<1x128xi32, #tpu.memory_space<vmem>> -> memref<128xi32, #tpu.memory_space<vmem>>
      %dma_start3A_95 = arith.constant 0 : i32
      %dma_start3A_96 = arith.constant 0 : i32
      %dma_start3A_97 = tpu.memref_slice %arg4[%dma_start3A_95, %dma_start3A_96] : memref<1000000x32xf32, #tpu.memory_space<hbm>> -> memref<1000000x32xf32, #tpu.memory_space<hbm>>
      tpu.enqueue_indirect_dma source(%dma_start3A_97 : memref<1000000x32xf32, #tpu.memory_space<hbm>>) target(%dma_start3A_91 : memref<128x32xf32, #tpu.memory_space<vmem>>) offsets(%dma_start3A_94 : memref<128xi32, #tpu.memory_space<vmem>>) semaphore(%arg11 : memref<!tpu.dma_semaphore, #tpu.memory_space<semaphore_mem>>)
      %mul3A_98 = arith.constant 10 : i32
      %mul3A_99 = arith.muli %scan3A_7, %mul3A_98 : i32
      %add3A_100 = arith.constant 7 : i32
      %add3A_101 = arith.addi %mul3A_99, %add3A_100 : i32
      %dma_start3A_102 = arith.constant 896 : i32
      %dma_start3A_103 = arith.constant 0 : i32
      %dma_start3A_104 = tpu.memref_slice %arg9[%dma_start3A_102, %dma_start3A_103] : memref<1280x32xf32, #tpu.memory_space<vmem>> -> memref<128x32xf32, #tpu.memory_space<vmem>>
      %dma_start3A_105 = arith.constant 0 : i32
      %dma_start3A_106 = tpu.memref_slice %arg7[%add3A_101, %dma_start3A_105] : memref<80x128xi32, #tpu.memory_space<vmem>> -> memref<1x128xi32, #tpu.memory_space<vmem>>
      %dma_start3A_107 = tpu.memref_squeeze %dma_start3A_106 : memref<1x128xi32, #tpu.memory_space<vmem>> -> memref<128xi32, #tpu.memory_space<vmem>>
      %dma_start3A_108 = arith.constant 0 : i32
      %dma_start3A_109 = arith.constant 0 : i32
      %dma_start3A_110 = tpu.memref_slice %arg4[%dma_start3A_108, %dma_start3A_109] : memref<1000000x32xf32, #tpu.memory_space<hbm>> -> memref<1000000x32xf32, #tpu.memory_space<hbm>>
      tpu.enqueue_indirect_dma source(%dma_start3A_110 : memref<1000000x32xf32, #tpu.memory_space<hbm>>) target(%dma_start3A_104 : memref<128x32xf32, #tpu.memory_space<vmem>>) offsets(%dma_start3A_107 : memref<128xi32, #tpu.memory_space<vmem>>) semaphore(%arg11 : memref<!tpu.dma_semaphore, #tpu.memory_space<semaphore_mem>>)
      %mul3A_111 = arith.constant 10 : i32
      %mul3A_112 = arith.muli %scan3A_7, %mul3A_111 : i32
      %add3A_113 = arith.constant 8 : i32
      %add3A_114 = arith.addi %mul3A_112, %add3A_113 : i32
      %dma_start3A_115 = arith.constant 1024 : i32
      %dma_start3A_116 = arith.constant 0 : i32
      %dma_start3A_117 = tpu.memref_slice %arg9[%dma_start3A_115, %dma_start3A_116] : memref<1280x32xf32, #tpu.memory_space<vmem>> -> memref<128x32xf32, #tpu.memory_space<vmem>>
      %dma_start3A_118 = arith.constant 0 : i32
      %dma_start3A_119 = tpu.memref_slice %arg7[%add3A_114, %dma_start3A_118] : memref<80x128xi32, #tpu.memory_space<vmem>> -> memref<1x128xi32, #tpu.memory_space<vmem>>
      %dma_start3A_120 = tpu.memref_squeeze %dma_start3A_119 : memref<1x128xi32, #tpu.memory_space<vmem>> -> memref<128xi32, #tpu.memory_space<vmem>>
      %dma_start3A_121 = arith.constant 0 : i32
      %dma_start3A_122 = arith.constant 0 : i32
      %dma_start3A_123 = tpu.memref_slice %arg4[%dma_start3A_121, %dma_start3A_122] : memref<1000000x32xf32, #tpu.memory_space<hbm>> -> memref<1000000x32xf32, #tpu.memory_space<hbm>>
      tpu.enqueue_indirect_dma source(%dma_start3A_123 : memref<1000000x32xf32, #tpu.memory_space<hbm>>) target(%dma_start3A_117 : memref<128x32xf32, #tpu.memory_space<vmem>>) offsets(%dma_start3A_120 : memref<128xi32, #tpu.memory_space<vmem>>) semaphore(%arg11 : memref<!tpu.dma_semaphore, #tpu.memory_space<semaphore_mem>>)
      %mul3A_124 = arith.constant 10 : i32
      %mul3A_125 = arith.muli %scan3A_7, %mul3A_124 : i32
      %add3A_126 = arith.constant 9 : i32
      %add3A_127 = arith.addi %mul3A_125, %add3A_126 : i32
      %dma_start3A_128 = arith.constant 1152 : i32
      %dma_start3A_129 = arith.constant 0 : i32
      %dma_start3A_130 = tpu.memref_slice %arg9[%dma_start3A_128, %dma_start3A_129] : memref<1280x32xf32, #tpu.memory_space<vmem>> -> memref<128x32xf32, #tpu.memory_space<vmem>>
      %dma_start3A_131 = arith.constant 0 : i32
      %dma_start3A_132 = tpu.memref_slice %arg7[%add3A_127, %dma_start3A_131] : memref<80x128xi32, #tpu.memory_space<vmem>> -> memref<1x128xi32, #tpu.memory_space<vmem>>
      %dma_start3A_133 = tpu.memref_squeeze %dma_start3A_132 : memref<1x128xi32, #tpu.memory_space<vmem>> -> memref<128xi32, #tpu.memory_space<vmem>>
      %dma_start3A_134 = arith.constant 0 : i32
      %dma_start3A_135 = arith.constant 0 : i32
      %dma_start3A_136 = tpu.memref_slice %arg4[%dma_start3A_134, %dma_start3A_135] : memref<1000000x32xf32, #tpu.memory_space<hbm>> -> memref<1000000x32xf32, #tpu.memory_space<hbm>>
      tpu.enqueue_indirect_dma source(%dma_start3A_136 : memref<1000000x32xf32, #tpu.memory_space<hbm>>) target(%dma_start3A_130 : memref<128x32xf32, #tpu.memory_space<vmem>>) offsets(%dma_start3A_133 : memref<128xi32, #tpu.memory_space<vmem>>) semaphore(%arg11 : memref<!tpu.dma_semaphore, #tpu.memory_space<semaphore_mem>>)
      %dma_wait3A = arith.constant 0 : i32
      %dma_wait3A_137 = arith.constant 0 : i32
      %dma_wait3A_138 = tpu.memref_slice %arg9[%dma_wait3A, %dma_wait3A_137] : memref<1280x32xf32, #tpu.memory_space<vmem>> -> memref<128x32xf32, #tpu.memory_space<vmem>>
      %dma_wait3A_139 = arith.constant 0 : i32
      %dma_wait3A_140 = tpu.memref_slice %arg7[%add3A_11, %dma_wait3A_139] : memref<80x128xi32, #tpu.memory_space<vmem>> -> memref<1x128xi32, #tpu.memory_space<vmem>>
      %dma_wait3A_141 = tpu.memref_squeeze %dma_wait3A_140 : memref<1x128xi32, #tpu.memory_space<vmem>> -> memref<128xi32, #tpu.memory_space<vmem>>
      %dma_wait3A_142 = arith.constant 0 : i32
      %dma_wait3A_143 = arith.constant 0 : i32
      %dma_wait3A_144 = tpu.memref_slice %arg4[%dma_wait3A_142, %dma_wait3A_143] : memref<1000000x32xf32, #tpu.memory_space<hbm>> -> memref<1000000x32xf32, #tpu.memory_space<hbm>>
      tpu.wait_indirect_dma semaphore(%arg11 : memref<!tpu.dma_semaphore, #tpu.memory_space<semaphore_mem>>) src(%dma_wait3A_144 : memref<1000000x32xf32, #tpu.memory_space<hbm>>) dst(%dma_wait3A_138 : memref<128x32xf32, #tpu.memory_space<vmem>>)
      %dma_wait3A_145 = arith.constant 128 : i32
      %dma_wait3A_146 = arith.constant 0 : i32
      %dma_wait3A_147 = tpu.memref_slice %arg9[%dma_wait3A_145, %dma_wait3A_146] : memref<1280x32xf32, #tpu.memory_space<vmem>> -> memref<128x32xf32, #tpu.memory_space<vmem>>
      %dma_wait3A_148 = arith.constant 0 : i32
      %dma_wait3A_149 = tpu.memref_slice %arg7[%add3A_23, %dma_wait3A_148] : memref<80x128xi32, #tpu.memory_space<vmem>> -> memref<1x128xi32, #tpu.memory_space<vmem>>
      %dma_wait3A_150 = tpu.memref_squeeze %dma_wait3A_149 : memref<1x128xi32, #tpu.memory_space<vmem>> -> memref<128xi32, #tpu.memory_space<vmem>>
      %dma_wait3A_151 = arith.constant 0 : i32
      %dma_wait3A_152 = arith.constant 0 : i32
      %dma_wait3A_153 = tpu.memref_slice %arg4[%dma_wait3A_151, %dma_wait3A_152] : memref<1000000x32xf32, #tpu.memory_space<hbm>> -> memref<1000000x32xf32, #tpu.memory_space<hbm>>
      tpu.wait_indirect_dma semaphore(%arg11 : memref<!tpu.dma_semaphore, #tpu.memory_space<semaphore_mem>>) src(%dma_wait3A_153 : memref<1000000x32xf32, #tpu.memory_space<hbm>>) dst(%dma_wait3A_147 : memref<128x32xf32, #tpu.memory_space<vmem>>)
      %dma_wait3A_154 = arith.constant 256 : i32
      %dma_wait3A_155 = arith.constant 0 : i32
      %dma_wait3A_156 = tpu.memref_slice %arg9[%dma_wait3A_154, %dma_wait3A_155] : memref<1280x32xf32, #tpu.memory_space<vmem>> -> memref<128x32xf32, #tpu.memory_space<vmem>>
      %dma_wait3A_157 = arith.constant 0 : i32
      %dma_wait3A_158 = tpu.memref_slice %arg7[%add3A_36, %dma_wait3A_157] : memref<80x128xi32, #tpu.memory_space<vmem>> -> memref<1x128xi32, #tpu.memory_space<vmem>>
      %dma_wait3A_159 = tpu.memref_squeeze %dma_wait3A_158 : memref<1x128xi32, #tpu.memory_space<vmem>> -> memref<128xi32, #tpu.memory_space<vmem>>
      %dma_wait3A_160 = arith.constant 0 : i32
      %dma_wait3A_161 = arith.constant 0 : i32
      %dma_wait3A_162 = tpu.memref_slice %arg4[%dma_wait3A_160, %dma_wait3A_161] : memref<1000000x32xf32, #tpu.memory_space<hbm>> -> memref<1000000x32xf32, #tpu.memory_space<hbm>>
      tpu.wait_indirect_dma semaphore(%arg11 : memref<!tpu.dma_semaphore, #tpu.memory_space<semaphore_mem>>) src(%dma_wait3A_162 : memref<1000000x32xf32, #tpu.memory_space<hbm>>) dst(%dma_wait3A_156 : memref<128x32xf32, #tpu.memory_space<vmem>>)
      %dma_wait3A_163 = arith.constant 384 : i32
      %dma_wait3A_164 = arith.constant 0 : i32
      %dma_wait3A_165 = tpu.memref_slice %arg9[%dma_wait3A_163, %dma_wait3A_164] : memref<1280x32xf32, #tpu.memory_space<vmem>> -> memref<128x32xf32, #tpu.memory_space<vmem>>
      %dma_wait3A_166 = arith.constant 0 : i32
      %dma_wait3A_167 = tpu.memref_slice %arg7[%add3A_49, %dma_wait3A_166] : memref<80x128xi32, #tpu.memory_space<vmem>> -> memref<1x128xi32, #tpu.memory_space<vmem>>
      %dma_wait3A_168 = tpu.memref_squeeze %dma_wait3A_167 : memref<1x128xi32, #tpu.memory_space<vmem>> -> memref<128xi32, #tpu.memory_space<vmem>>
      %dma_wait3A_169 = arith.constant 0 : i32
      %dma_wait3A_170 = arith.constant 0 : i32
      %dma_wait3A_171 = tpu.memref_slice %arg4[%dma_wait3A_169, %dma_wait3A_170] : memref<1000000x32xf32, #tpu.memory_space<hbm>> -> memref<1000000x32xf32, #tpu.memory_space<hbm>>
      tpu.wait_indirect_dma semaphore(%arg11 : memref<!tpu.dma_semaphore, #tpu.memory_space<semaphore_mem>>) src(%dma_wait3A_171 : memref<1000000x32xf32, #tpu.memory_space<hbm>>) dst(%dma_wait3A_165 : memref<128x32xf32, #tpu.memory_space<vmem>>)
      %dma_wait3A_172 = arith.constant 512 : i32
      %dma_wait3A_173 = arith.constant 0 : i32
      %dma_wait3A_174 = tpu.memref_slice %arg9[%dma_wait3A_172, %dma_wait3A_173] : memref<1280x32xf32, #tpu.memory_space<vmem>> -> memref<128x32xf32, #tpu.memory_space<vmem>>
      %dma_wait3A_175 = arith.constant 0 : i32
      %dma_wait3A_176 = tpu.memref_slice %arg7[%add3A_62, %dma_wait3A_175] : memref<80x128xi32, #tpu.memory_space<vmem>> -> memref<1x128xi32, #tpu.memory_space<vmem>>
      %dma_wait3A_177 = tpu.memref_squeeze %dma_wait3A_176 : memref<1x128xi32, #tpu.memory_space<vmem>> -> memref<128xi32, #tpu.memory_space<vmem>>
      %dma_wait3A_178 = arith.constant 0 : i32
      %dma_wait3A_179 = arith.constant 0 : i32
      %dma_wait3A_180 = tpu.memref_slice %arg4[%dma_wait3A_178, %dma_wait3A_179] : memref<1000000x32xf32, #tpu.memory_space<hbm>> -> memref<1000000x32xf32, #tpu.memory_space<hbm>>
      tpu.wait_indirect_dma semaphore(%arg11 : memref<!tpu.dma_semaphore, #tpu.memory_space<semaphore_mem>>) src(%dma_wait3A_180 : memref<1000000x32xf32, #tpu.memory_space<hbm>>) dst(%dma_wait3A_174 : memref<128x32xf32, #tpu.memory_space<vmem>>)
      %dma_wait3A_181 = arith.constant 640 : i32
      %dma_wait3A_182 = arith.constant 0 : i32
      %dma_wait3A_183 = tpu.memref_slice %arg9[%dma_wait3A_181, %dma_wait3A_182] : memref<1280x32xf32, #tpu.memory_space<vmem>> -> memref<128x32xf32, #tpu.memory_space<vmem>>
      %dma_wait3A_184 = arith.constant 0 : i32
      %dma_wait3A_185 = tpu.memref_slice %arg7[%add3A_75, %dma_wait3A_184] : memref<80x128xi32, #tpu.memory_space<vmem>> -> memref<1x128xi32, #tpu.memory_space<vmem>>
      %dma_wait3A_186 = tpu.memref_squeeze %dma_wait3A_185 : memref<1x128xi32, #tpu.memory_space<vmem>> -> memref<128xi32, #tpu.memory_space<vmem>>
      %dma_wait3A_187 = arith.constant 0 : i32
      %dma_wait3A_188 = arith.constant 0 : i32
      %dma_wait3A_189 = tpu.memref_slice %arg4[%dma_wait3A_187, %dma_wait3A_188] : memref<1000000x32xf32, #tpu.memory_space<hbm>> -> memref<1000000x32xf32, #tpu.memory_space<hbm>>
      tpu.wait_indirect_dma semaphore(%arg11 : memref<!tpu.dma_semaphore, #tpu.memory_space<semaphore_mem>>) src(%dma_wait3A_189 : memref<1000000x32xf32, #tpu.memory_space<hbm>>) dst(%dma_wait3A_183 : memref<128x32xf32, #tpu.memory_space<vmem>>)
      %dma_wait3A_190 = arith.constant 768 : i32
      %dma_wait3A_191 = arith.constant 0 : i32
      %dma_wait3A_192 = tpu.memref_slice %arg9[%dma_wait3A_190, %dma_wait3A_191] : memref<1280x32xf32, #tpu.memory_space<vmem>> -> memref<128x32xf32, #tpu.memory_space<vmem>>
      %dma_wait3A_193 = arith.constant 0 : i32
      %dma_wait3A_194 = tpu.memref_slice %arg7[%add3A_88, %dma_wait3A_193] : memref<80x128xi32, #tpu.memory_space<vmem>> -> memref<1x128xi32, #tpu.memory_space<vmem>>
      %dma_wait3A_195 = tpu.memref_squeeze %dma_wait3A_194 : memref<1x128xi32, #tpu.memory_space<vmem>> -> memref<128xi32, #tpu.memory_space<vmem>>
      %dma_wait3A_196 = arith.constant 0 : i32
      %dma_wait3A_197 = arith.constant 0 : i32
      %dma_wait3A_198 = tpu.memref_slice %arg4[%dma_wait3A_196, %dma_wait3A_197] : memref<1000000x32xf32, #tpu.memory_space<hbm>> -> memref<1000000x32xf32, #tpu.memory_space<hbm>>
      tpu.wait_indirect_dma semaphore(%arg11 : memref<!tpu.dma_semaphore, #tpu.memory_space<semaphore_mem>>) src(%dma_wait3A_198 : memref<1000000x32xf32, #tpu.memory_space<hbm>>) dst(%dma_wait3A_192 : memref<128x32xf32, #tpu.memory_space<vmem>>)
      %dma_wait3A_199 = arith.constant 896 : i32
      %dma_wait3A_200 = arith.constant 0 : i32
      %dma_wait3A_201 = tpu.memref_slice %arg9[%dma_wait3A_199, %dma_wait3A_200] : memref<1280x32xf32, #tpu.memory_space<vmem>> -> memref<128x32xf32, #tpu.memory_space<vmem>>
      %dma_wait3A_202 = arith.constant 0 : i32
      %dma_wait3A_203 = tpu.memref_slice %arg7[%add3A_101, %dma_wait3A_202] : memref<80x128xi32, #tpu.memory_space<vmem>> -> memref<1x128xi32, #tpu.memory_space<vmem>>
      %dma_wait3A_204 = tpu.memref_squeeze %dma_wait3A_203 : memref<1x128xi32, #tpu.memory_space<vmem>> -> memref<128xi32, #tpu.memory_space<vmem>>
      %dma_wait3A_205 = arith.constant 0 : i32
      %dma_wait3A_206 = arith.constant 0 : i32
      %dma_wait3A_207 = tpu.memref_slice %arg4[%dma_wait3A_205, %dma_wait3A_206] : memref<1000000x32xf32, #tpu.memory_space<hbm>> -> memref<1000000x32xf32, #tpu.memory_space<hbm>>
      tpu.wait_indirect_dma semaphore(%arg11 : memref<!tpu.dma_semaphore, #tpu.memory_space<semaphore_mem>>) src(%dma_wait3A_207 : memref<1000000x32xf32, #tpu.memory_space<hbm>>) dst(%dma_wait3A_201 : memref<128x32xf32, #tpu.memory_space<vmem>>)
      %dma_wait3A_208 = arith.constant 1024 : i32
      %dma_wait3A_209 = arith.constant 0 : i32
      %dma_wait3A_210 = tpu.memref_slice %arg9[%dma_wait3A_208, %dma_wait3A_209] : memref<1280x32xf32, #tpu.memory_space<vmem>> -> memref<128x32xf32, #tpu.memory_space<vmem>>
      %dma_wait3A_211 = arith.constant 0 : i32
      %dma_wait3A_212 = tpu.memref_slice %arg7[%add3A_114, %dma_wait3A_211] : memref<80x128xi32, #tpu.memory_space<vmem>> -> memref<1x128xi32, #tpu.memory_space<vmem>>
      %dma_wait3A_213 = tpu.memref_squeeze %dma_wait3A_212 : memref<1x128xi32, #tpu.memory_space<vmem>> -> memref<128xi32, #tpu.memory_space<vmem>>
      %dma_wait3A_214 = arith.constant 0 : i32
      %dma_wait3A_215 = arith.constant 0 : i32
      %dma_wait3A_216 = tpu.memref_slice %arg4[%dma_wait3A_214, %dma_wait3A_215] : memref<1000000x32xf32, #tpu.memory_space<hbm>> -> memref<1000000x32xf32, #tpu.memory_space<hbm>>
      tpu.wait_indirect_dma semaphore(%arg11 : memref<!tpu.dma_semaphore, #tpu.memory_space<semaphore_mem>>) src(%dma_wait3A_216 : memref<1000000x32xf32, #tpu.memory_space<hbm>>) dst(%dma_wait3A_210 : memref<128x32xf32, #tpu.memory_space<vmem>>)
      %dma_wait3A_217 = arith.constant 1152 : i32
      %dma_wait3A_218 = arith.constant 0 : i32
      %dma_wait3A_219 = tpu.memref_slice %arg9[%dma_wait3A_217, %dma_wait3A_218] : memref<1280x32xf32, #tpu.memory_space<vmem>> -> memref<128x32xf32, #tpu.memory_space<vmem>>
      %dma_wait3A_220 = arith.constant 0 : i32
      %dma_wait3A_221 = tpu.memref_slice %arg7[%add3A_127, %dma_wait3A_220] : memref<80x128xi32, #tpu.memory_space<vmem>> -> memref<1x128xi32, #tpu.memory_space<vmem>>
      %dma_wait3A_222 = tpu.memref_squeeze %dma_wait3A_221 : memref<1x128xi32, #tpu.memory_space<vmem>> -> memref<128xi32, #tpu.memory_space<vmem>>
      %dma_wait3A_223 = arith.constant 0 : i32
      %dma_wait3A_224 = arith.constant 0 : i32
      %dma_wait3A_225 = tpu.memref_slice %arg4[%dma_wait3A_223, %dma_wait3A_224] : memref<1000000x32xf32, #tpu.memory_space<hbm>> -> memref<1000000x32xf32, #tpu.memory_space<hbm>>
      tpu.wait_indirect_dma semaphore(%arg11 : memref<!tpu.dma_semaphore, #tpu.memory_space<semaphore_mem>>) src(%dma_wait3A_225 : memref<1000000x32xf32, #tpu.memory_space<hbm>>) dst(%dma_wait3A_219 : memref<128x32xf32, #tpu.memory_space<vmem>>)
      %mul3A_226 = arith.constant 10 : i32
      %mul3A_227 = arith.muli %scan3A_7, %mul3A_226 : i32
      %add3A_228 = arith.constant 0 : i32
      %add3A_229 = arith.addi %mul3A_227, %add3A_228 : i32
      %dma_start3A_230 = arith.constant 0 : i32
      %dma_start3A_231 = arith.constant 0 : i32
      %dma_start3A_232 = tpu.memref_slice %arg9[%dma_start3A_230, %dma_start3A_231] : memref<1280x32xf32, #tpu.memory_space<vmem>> -> memref<128x32xf32, #tpu.memory_space<vmem>>
      %dma_start3A_233 = arith.constant 0 : i32
      %dma_start3A_234 = tpu.memref_slice %arg8[%add3A_229, %dma_start3A_233] : memref<80x128xi32, #tpu.memory_space<vmem>> -> memref<1x128xi32, #tpu.memory_space<vmem>>
      %dma_start3A_235 = tpu.memref_squeeze %dma_start3A_234 : memref<1x128xi32, #tpu.memory_space<vmem>> -> memref<128xi32, #tpu.memory_space<vmem>>
      %dma_start3A_236 = arith.constant 0 : i32
      %dma_start3A_237 = arith.constant 0 : i32
      %dma_start3A_238 = tpu.memref_slice %arg5[%dma_start3A_236, %dma_start3A_237] : memref<1000000x32xf32, #tpu.memory_space<hbm>> -> memref<1000000x32xf32, #tpu.memory_space<hbm>>
      tpu.enqueue_indirect_dma source(%dma_start3A_238 : memref<1000000x32xf32, #tpu.memory_space<hbm>>) target(%dma_start3A_232 : memref<128x32xf32, #tpu.memory_space<vmem>>) offsets(%dma_start3A_235 : memref<128xi32, #tpu.memory_space<vmem>>) semaphore(%arg11 : memref<!tpu.dma_semaphore, #tpu.memory_space<semaphore_mem>>) {add = true}
      %mul3A_239 = arith.constant 10 : i32
      %mul3A_240 = arith.muli %scan3A_7, %mul3A_239 : i32
      %add3A_241 = arith.constant 1 : i32
      %add3A_242 = arith.addi %mul3A_240, %add3A_241 : i32
      %dma_start3A_243 = arith.constant 128 : i32
      %dma_start3A_244 = arith.constant 0 : i32
      %dma_start3A_245 = tpu.memref_slice %arg9[%dma_start3A_243, %dma_start3A_244] : memref<1280x32xf32, #tpu.memory_space<vmem>> -> memref<128x32xf32, #tpu.memory_space<vmem>>
      %dma_start3A_246 = arith.constant 0 : i32
      %dma_start3A_247 = tpu.memref_slice %arg8[%add3A_242, %dma_start3A_246] : memref<80x128xi32, #tpu.memory_space<vmem>> -> memref<1x128xi32, #tpu.memory_space<vmem>>
      %dma_start3A_248 = tpu.memref_squeeze %dma_start3A_247 : memref<1x128xi32, #tpu.memory_space<vmem>> -> memref<128xi32, #tpu.memory_space<vmem>>
      %dma_start3A_249 = arith.constant 0 : i32
      %dma_start3A_250 = arith.constant 0 : i32
      %dma_start3A_251 = tpu.memref_slice %arg5[%dma_start3A_249, %dma_start3A_250] : memref<1000000x32xf32, #tpu.memory_space<hbm>> -> memref<1000000x32xf32, #tpu.memory_space<hbm>>
      tpu.enqueue_indirect_dma source(%dma_start3A_251 : memref<1000000x32xf32, #tpu.memory_space<hbm>>) target(%dma_start3A_245 : memref<128x32xf32, #tpu.memory_space<vmem>>) offsets(%dma_start3A_248 : memref<128xi32, #tpu.memory_space<vmem>>) semaphore(%arg11 : memref<!tpu.dma_semaphore, #tpu.memory_space<semaphore_mem>>) {add = true}
      %mul3A_252 = arith.constant 10 : i32
      %mul3A_253 = arith.muli %scan3A_7, %mul3A_252 : i32
      %add3A_254 = arith.constant 2 : i32
      %add3A_255 = arith.addi %mul3A_253, %add3A_254 : i32
      %dma_start3A_256 = arith.constant 256 : i32
      %dma_start3A_257 = arith.constant 0 : i32
      %dma_start3A_258 = tpu.memref_slice %arg9[%dma_start3A_256, %dma_start3A_257] : memref<1280x32xf32, #tpu.memory_space<vmem>> -> memref<128x32xf32, #tpu.memory_space<vmem>>
      %dma_start3A_259 = arith.constant 0 : i32
      %dma_start3A_260 = tpu.memref_slice %arg8[%add3A_255, %dma_start3A_259] : memref<80x128xi32, #tpu.memory_space<vmem>> -> memref<1x128xi32, #tpu.memory_space<vmem>>
      %dma_start3A_261 = tpu.memref_squeeze %dma_start3A_260 : memref<1x128xi32, #tpu.memory_space<vmem>> -> memref<128xi32, #tpu.memory_space<vmem>>
      %dma_start3A_262 = arith.constant 0 : i32
      %dma_start3A_263 = arith.constant 0 : i32
      %dma_start3A_264 = tpu.memref_slice %arg5[%dma_start3A_262, %dma_start3A_263] : memref<1000000x32xf32, #tpu.memory_space<hbm>> -> memref<1000000x32xf32, #tpu.memory_space<hbm>>
      tpu.enqueue_indirect_dma source(%dma_start3A_264 : memref<1000000x32xf32, #tpu.memory_space<hbm>>) target(%dma_start3A_258 : memref<128x32xf32, #tpu.memory_space<vmem>>) offsets(%dma_start3A_261 : memref<128xi32, #tpu.memory_space<vmem>>) semaphore(%arg11 : memref<!tpu.dma_semaphore, #tpu.memory_space<semaphore_mem>>) {add = true}
      %mul3A_265 = arith.constant 10 : i32
      %mul3A_266 = arith.muli %scan3A_7, %mul3A_265 : i32
      %add3A_267 = arith.constant 3 : i32
      %add3A_268 = arith.addi %mul3A_266, %add3A_267 : i32
      %dma_start3A_269 = arith.constant 384 : i32
      %dma_start3A_270 = arith.constant 0 : i32
      %dma_start3A_271 = tpu.memref_slice %arg9[%dma_start3A_269, %dma_start3A_270] : memref<1280x32xf32, #tpu.memory_space<vmem>> -> memref<128x32xf32, #tpu.memory_space<vmem>>
      %dma_start3A_272 = arith.constant 0 : i32
      %dma_start3A_273 = tpu.memref_slice %arg8[%add3A_268, %dma_start3A_272] : memref<80x128xi32, #tpu.memory_space<vmem>> -> memref<1x128xi32, #tpu.memory_space<vmem>>
      %dma_start3A_274 = tpu.memref_squeeze %dma_start3A_273 : memref<1x128xi32, #tpu.memory_space<vmem>> -> memref<128xi32, #tpu.memory_space<vmem>>
      %dma_start3A_275 = arith.constant 0 : i32
      %dma_start3A_276 = arith.constant 0 : i32
      %dma_start3A_277 = tpu.memref_slice %arg5[%dma_start3A_275, %dma_start3A_276] : memref<1000000x32xf32, #tpu.memory_space<hbm>> -> memref<1000000x32xf32, #tpu.memory_space<hbm>>
      tpu.enqueue_indirect_dma source(%dma_start3A_277 : memref<1000000x32xf32, #tpu.memory_space<hbm>>) target(%dma_start3A_271 : memref<128x32xf32, #tpu.memory_space<vmem>>) offsets(%dma_start3A_274 : memref<128xi32, #tpu.memory_space<vmem>>) semaphore(%arg11 : memref<!tpu.dma_semaphore, #tpu.memory_space<semaphore_mem>>) {add = true}
      %mul3A_278 = arith.constant 10 : i32
      %mul3A_279 = arith.muli %scan3A_7, %mul3A_278 : i32
      %add3A_280 = arith.constant 4 : i32
      %add3A_281 = arith.addi %mul3A_279, %add3A_280 : i32
      %dma_start3A_282 = arith.constant 512 : i32
      %dma_start3A_283 = arith.constant 0 : i32
      %dma_start3A_284 = tpu.memref_slice %arg9[%dma_start3A_282, %dma_start3A_283] : memref<1280x32xf32, #tpu.memory_space<vmem>> -> memref<128x32xf32, #tpu.memory_space<vmem>>
      %dma_start3A_285 = arith.constant 0 : i32
      %dma_start3A_286 = tpu.memref_slice %arg8[%add3A_281, %dma_start3A_285] : memref<80x128xi32, #tpu.memory_space<vmem>> -> memref<1x128xi32, #tpu.memory_space<vmem>>
      %dma_start3A_287 = tpu.memref_squeeze %dma_start3A_286 : memref<1x128xi32, #tpu.memory_space<vmem>> -> memref<128xi32, #tpu.memory_space<vmem>>
      %dma_start3A_288 = arith.constant 0 : i32
      %dma_start3A_289 = arith.constant 0 : i32
      %dma_start3A_290 = tpu.memref_slice %arg5[%dma_start3A_288, %dma_start3A_289] : memref<1000000x32xf32, #tpu.memory_space<hbm>> -> memref<1000000x32xf32, #tpu.memory_space<hbm>>
      tpu.enqueue_indirect_dma source(%dma_start3A_290 : memref<1000000x32xf32, #tpu.memory_space<hbm>>) target(%dma_start3A_284 : memref<128x32xf32, #tpu.memory_space<vmem>>) offsets(%dma_start3A_287 : memref<128xi32, #tpu.memory_space<vmem>>) semaphore(%arg11 : memref<!tpu.dma_semaphore, #tpu.memory_space<semaphore_mem>>) {add = true}
      %mul3A_291 = arith.constant 10 : i32
      %mul3A_292 = arith.muli %scan3A_7, %mul3A_291 : i32
      %add3A_293 = arith.constant 5 : i32
      %add3A_294 = arith.addi %mul3A_292, %add3A_293 : i32
      %dma_start3A_295 = arith.constant 640 : i32
      %dma_start3A_296 = arith.constant 0 : i32
      %dma_start3A_297 = tpu.memref_slice %arg9[%dma_start3A_295, %dma_start3A_296] : memref<1280x32xf32, #tpu.memory_space<vmem>> -> memref<128x32xf32, #tpu.memory_space<vmem>>
      %dma_start3A_298 = arith.constant 0 : i32
      %dma_start3A_299 = tpu.memref_slice %arg8[%add3A_294, %dma_start3A_298] : memref<80x128xi32, #tpu.memory_space<vmem>> -> memref<1x128xi32, #tpu.memory_space<vmem>>
      %dma_start3A_300 = tpu.memref_squeeze %dma_start3A_299 : memref<1x128xi32, #tpu.memory_space<vmem>> -> memref<128xi32, #tpu.memory_space<vmem>>
      %dma_start3A_301 = arith.constant 0 : i32
      %dma_start3A_302 = arith.constant 0 : i32
      %dma_start3A_303 = tpu.memref_slice %arg5[%dma_start3A_301, %dma_start3A_302] : memref<1000000x32xf32, #tpu.memory_space<hbm>> -> memref<1000000x32xf32, #tpu.memory_space<hbm>>
      tpu.enqueue_indirect_dma source(%dma_start3A_303 : memref<1000000x32xf32, #tpu.memory_space<hbm>>) target(%dma_start3A_297 : memref<128x32xf32, #tpu.memory_space<vmem>>) offsets(%dma_start3A_300 : memref<128xi32, #tpu.memory_space<vmem>>) semaphore(%arg11 : memref<!tpu.dma_semaphore, #tpu.memory_space<semaphore_mem>>) {add = true}
      %mul3A_304 = arith.constant 10 : i32
      %mul3A_305 = arith.muli %scan3A_7, %mul3A_304 : i32
      %add3A_306 = arith.constant 6 : i32
      %add3A_307 = arith.addi %mul3A_305, %add3A_306 : i32
      %dma_start3A_308 = arith.constant 768 : i32
      %dma_start3A_309 = arith.constant 0 : i32
      %dma_start3A_310 = tpu.memref_slice %arg9[%dma_start3A_308, %dma_start3A_309] : memref<1280x32xf32, #tpu.memory_space<vmem>> -> memref<128x32xf32, #tpu.memory_space<vmem>>
      %dma_start3A_311 = arith.constant 0 : i32
      %dma_start3A_312 = tpu.memref_slice %arg8[%add3A_307, %dma_start3A_311] : memref<80x128xi32, #tpu.memory_space<vmem>> -> memref<1x128xi32, #tpu.memory_space<vmem>>
      %dma_start3A_313 = tpu.memref_squeeze %dma_start3A_312 : memref<1x128xi32, #tpu.memory_space<vmem>> -> memref<128xi32, #tpu.memory_space<vmem>>
      %dma_start3A_314 = arith.constant 0 : i32
      %dma_start3A_315 = arith.constant 0 : i32
      %dma_start3A_316 = tpu.memref_slice %arg5[%dma_start3A_314, %dma_start3A_315] : memref<1000000x32xf32, #tpu.memory_space<hbm>> -> memref<1000000x32xf32, #tpu.memory_space<hbm>>
      tpu.enqueue_indirect_dma source(%dma_start3A_316 : memref<1000000x32xf32, #tpu.memory_space<hbm>>) target(%dma_start3A_310 : memref<128x32xf32, #tpu.memory_space<vmem>>) offsets(%dma_start3A_313 : memref<128xi32, #tpu.memory_space<vmem>>) semaphore(%arg11 : memref<!tpu.dma_semaphore, #tpu.memory_space<semaphore_mem>>) {add = true}
      %mul3A_317 = arith.constant 10 : i32
      %mul3A_318 = arith.muli %scan3A_7, %mul3A_317 : i32
      %add3A_319 = arith.constant 7 : i32
      %add3A_320 = arith.addi %mul3A_318, %add3A_319 : i32
      %dma_start3A_321 = arith.constant 896 : i32
      %dma_start3A_322 = arith.constant 0 : i32
      %dma_start3A_323 = tpu.memref_slice %arg9[%dma_start3A_321, %dma_start3A_322] : memref<1280x32xf32, #tpu.memory_space<vmem>> -> memref<128x32xf32, #tpu.memory_space<vmem>>
      %dma_start3A_324 = arith.constant 0 : i32
      %dma_start3A_325 = tpu.memref_slice %arg8[%add3A_320, %dma_start3A_324] : memref<80x128xi32, #tpu.memory_space<vmem>> -> memref<1x128xi32, #tpu.memory_space<vmem>>
      %dma_start3A_326 = tpu.memref_squeeze %dma_start3A_325 : memref<1x128xi32, #tpu.memory_space<vmem>> -> memref<128xi32, #tpu.memory_space<vmem>>
      %dma_start3A_327 = arith.constant 0 : i32
      %dma_start3A_328 = arith.constant 0 : i32
      %dma_start3A_329 = tpu.memref_slice %arg5[%dma_start3A_327, %dma_start3A_328] : memref<1000000x32xf32, #tpu.memory_space<hbm>> -> memref<1000000x32xf32, #tpu.memory_space<hbm>>
      tpu.enqueue_indirect_dma source(%dma_start3A_329 : memref<1000000x32xf32, #tpu.memory_space<hbm>>) target(%dma_start3A_323 : memref<128x32xf32, #tpu.memory_space<vmem>>) offsets(%dma_start3A_326 : memref<128xi32, #tpu.memory_space<vmem>>) semaphore(%arg11 : memref<!tpu.dma_semaphore, #tpu.memory_space<semaphore_mem>>) {add = true}
      %mul3A_330 = arith.constant 10 : i32
      %mul3A_331 = arith.muli %scan3A_7, %mul3A_330 : i32
      %add3A_332 = arith.constant 8 : i32
      %add3A_333 = arith.addi %mul3A_331, %add3A_332 : i32
      %dma_start3A_334 = arith.constant 1024 : i32
      %dma_start3A_335 = arith.constant 0 : i32
      %dma_start3A_336 = tpu.memref_slice %arg9[%dma_start3A_334, %dma_start3A_335] : memref<1280x32xf32, #tpu.memory_space<vmem>> -> memref<128x32xf32, #tpu.memory_space<vmem>>
      %dma_start3A_337 = arith.constant 0 : i32
      %dma_start3A_338 = tpu.memref_slice %arg8[%add3A_333, %dma_start3A_337] : memref<80x128xi32, #tpu.memory_space<vmem>> -> memref<1x128xi32, #tpu.memory_space<vmem>>
      %dma_start3A_339 = tpu.memref_squeeze %dma_start3A_338 : memref<1x128xi32, #tpu.memory_space<vmem>> -> memref<128xi32, #tpu.memory_space<vmem>>
      %dma_start3A_340 = arith.constant 0 : i32
      %dma_start3A_341 = arith.constant 0 : i32
      %dma_start3A_342 = tpu.memref_slice %arg5[%dma_start3A_340, %dma_start3A_341] : memref<1000000x32xf32, #tpu.memory_space<hbm>> -> memref<1000000x32xf32, #tpu.memory_space<hbm>>
      tpu.enqueue_indirect_dma source(%dma_start3A_342 : memref<1000000x32xf32, #tpu.memory_space<hbm>>) target(%dma_start3A_336 : memref<128x32xf32, #tpu.memory_space<vmem>>) offsets(%dma_start3A_339 : memref<128xi32, #tpu.memory_space<vmem>>) semaphore(%arg11 : memref<!tpu.dma_semaphore, #tpu.memory_space<semaphore_mem>>) {add = true}
      %mul3A_343 = arith.constant 10 : i32
      %mul3A_344 = arith.muli %scan3A_7, %mul3A_343 : i32
      %add3A_345 = arith.constant 9 : i32
      %add3A_346 = arith.addi %mul3A_344, %add3A_345 : i32
      %dma_start3A_347 = arith.constant 1152 : i32
      %dma_start3A_348 = arith.constant 0 : i32
      %dma_start3A_349 = tpu.memref_slice %arg9[%dma_start3A_347, %dma_start3A_348] : memref<1280x32xf32, #tpu.memory_space<vmem>> -> memref<128x32xf32, #tpu.memory_space<vmem>>
      %dma_start3A_350 = arith.constant 0 : i32
      %dma_start3A_351 = tpu.memref_slice %arg8[%add3A_346, %dma_start3A_350] : memref<80x128xi32, #tpu.memory_space<vmem>> -> memref<1x128xi32, #tpu.memory_space<vmem>>
      %dma_start3A_352 = tpu.memref_squeeze %dma_start3A_351 : memref<1x128xi32, #tpu.memory_space<vmem>> -> memref<128xi32, #tpu.memory_space<vmem>>
      %dma_start3A_353 = arith.constant 0 : i32
      %dma_start3A_354 = arith.constant 0 : i32
      %dma_start3A_355 = tpu.memref_slice %arg5[%dma_start3A_353, %dma_start3A_354] : memref<1000000x32xf32, #tpu.memory_space<hbm>> -> memref<1000000x32xf32, #tpu.memory_space<hbm>>
      tpu.enqueue_indirect_dma source(%dma_start3A_355 : memref<1000000x32xf32, #tpu.memory_space<hbm>>) target(%dma_start3A_349 : memref<128x32xf32, #tpu.memory_space<vmem>>) offsets(%dma_start3A_352 : memref<128xi32, #tpu.memory_space<vmem>>) semaphore(%arg11 : memref<!tpu.dma_semaphore, #tpu.memory_space<semaphore_mem>>) {add = true}
      %dma_wait3A_356 = arith.constant 0 : i32
      %dma_wait3A_357 = arith.constant 0 : i32
      %dma_wait3A_358 = tpu.memref_slice %arg9[%dma_wait3A_356, %dma_wait3A_357] : memref<1280x32xf32, #tpu.memory_space<vmem>> -> memref<128x32xf32, #tpu.memory_space<vmem>>
      %dma_wait3A_359 = arith.constant 0 : i32
      %dma_wait3A_360 = tpu.memref_slice %arg8[%add3A_229, %dma_wait3A_359] : memref<80x128xi32, #tpu.memory_space<vmem>> -> memref<1x128xi32, #tpu.memory_space<vmem>>
      %dma_wait3A_361 = tpu.memref_squeeze %dma_wait3A_360 : memref<1x128xi32, #tpu.memory_space<vmem>> -> memref<128xi32, #tpu.memory_space<vmem>>
      %dma_wait3A_362 = arith.constant 0 : i32
      %dma_wait3A_363 = arith.constant 0 : i32
      %dma_wait3A_364 = tpu.memref_slice %arg5[%dma_wait3A_362, %dma_wait3A_363] : memref<1000000x32xf32, #tpu.memory_space<hbm>> -> memref<1000000x32xf32, #tpu.memory_space<hbm>>
      tpu.wait_indirect_dma semaphore(%arg11 : memref<!tpu.dma_semaphore, #tpu.memory_space<semaphore_mem>>) src(%dma_wait3A_364 : memref<1000000x32xf32, #tpu.memory_space<hbm>>) dst(%dma_wait3A_358 : memref<128x32xf32, #tpu.memory_space<vmem>>)
      %dma_wait3A_365 = arith.constant 128 : i32
      %dma_wait3A_366 = arith.constant 0 : i32
      %dma_wait3A_367 = tpu.memref_slice %arg9[%dma_wait3A_365, %dma_wait3A_366] : memref<1280x32xf32, #tpu.memory_space<vmem>> -> memref<128x32xf32, #tpu.memory_space<vmem>>
      %dma_wait3A_368 = arith.constant 0 : i32
      %dma_wait3A_369 = tpu.memref_slice %arg8[%add3A_242, %dma_wait3A_368] : memref<80x128xi32, #tpu.memory_space<vmem>> -> memref<1x128xi32, #tpu.memory_space<vmem>>
      %dma_wait3A_370 = tpu.memref_squeeze %dma_wait3A_369 : memref<1x128xi32, #tpu.memory_space<vmem>> -> memref<128xi32, #tpu.memory_space<vmem>>
      %dma_wait3A_371 = arith.constant 0 : i32
      %dma_wait3A_372 = arith.constant 0 : i32
      %dma_wait3A_373 = tpu.memref_slice %arg5[%dma_wait3A_371, %dma_wait3A_372] : memref<1000000x32xf32, #tpu.memory_space<hbm>> -> memref<1000000x32xf32, #tpu.memory_space<hbm>>
      tpu.wait_indirect_dma semaphore(%arg11 : memref<!tpu.dma_semaphore, #tpu.memory_space<semaphore_mem>>) src(%dma_wait3A_373 : memref<1000000x32xf32, #tpu.memory_space<hbm>>) dst(%dma_wait3A_367 : memref<128x32xf32, #tpu.memory_space<vmem>>)
      %dma_wait3A_374 = arith.constant 256 : i32
      %dma_wait3A_375 = arith.constant 0 : i32
      %dma_wait3A_376 = tpu.memref_slice %arg9[%dma_wait3A_374, %dma_wait3A_375] : memref<1280x32xf32, #tpu.memory_space<vmem>> -> memref<128x32xf32, #tpu.memory_space<vmem>>
      %dma_wait3A_377 = arith.constant 0 : i32
      %dma_wait3A_378 = tpu.memref_slice %arg8[%add3A_255, %dma_wait3A_377] : memref<80x128xi32, #tpu.memory_space<vmem>> -> memref<1x128xi32, #tpu.memory_space<vmem>>
      %dma_wait3A_379 = tpu.memref_squeeze %dma_wait3A_378 : memref<1x128xi32, #tpu.memory_space<vmem>> -> memref<128xi32, #tpu.memory_space<vmem>>
      %dma_wait3A_380 = arith.constant 0 : i32
      %dma_wait3A_381 = arith.constant 0 : i32
      %dma_wait3A_382 = tpu.memref_slice %arg5[%dma_wait3A_380, %dma_wait3A_381] : memref<1000000x32xf32, #tpu.memory_space<hbm>> -> memref<1000000x32xf32, #tpu.memory_space<hbm>>
      tpu.wait_indirect_dma semaphore(%arg11 : memref<!tpu.dma_semaphore, #tpu.memory_space<semaphore_mem>>) src(%dma_wait3A_382 : memref<1000000x32xf32, #tpu.memory_space<hbm>>) dst(%dma_wait3A_376 : memref<128x32xf32, #tpu.memory_space<vmem>>)
      %dma_wait3A_383 = arith.constant 384 : i32
      %dma_wait3A_384 = arith.constant 0 : i32
      %dma_wait3A_385 = tpu.memref_slice %arg9[%dma_wait3A_383, %dma_wait3A_384] : memref<1280x32xf32, #tpu.memory_space<vmem>> -> memref<128x32xf32, #tpu.memory_space<vmem>>
      %dma_wait3A_386 = arith.constant 0 : i32
      %dma_wait3A_387 = tpu.memref_slice %arg8[%add3A_268, %dma_wait3A_386] : memref<80x128xi32, #tpu.memory_space<vmem>> -> memref<1x128xi32, #tpu.memory_space<vmem>>
      %dma_wait3A_388 = tpu.memref_squeeze %dma_wait3A_387 : memref<1x128xi32, #tpu.memory_space<vmem>> -> memref<128xi32, #tpu.memory_space<vmem>>
      %dma_wait3A_389 = arith.constant 0 : i32
      %dma_wait3A_390 = arith.constant 0 : i32
      %dma_wait3A_391 = tpu.memref_slice %arg5[%dma_wait3A_389, %dma_wait3A_390] : memref<1000000x32xf32, #tpu.memory_space<hbm>> -> memref<1000000x32xf32, #tpu.memory_space<hbm>>
      tpu.wait_indirect_dma semaphore(%arg11 : memref<!tpu.dma_semaphore, #tpu.memory_space<semaphore_mem>>) src(%dma_wait3A_391 : memref<1000000x32xf32, #tpu.memory_space<hbm>>) dst(%dma_wait3A_385 : memref<128x32xf32, #tpu.memory_space<vmem>>)
      %dma_wait3A_392 = arith.constant 512 : i32
      %dma_wait3A_393 = arith.constant 0 : i32
      %dma_wait3A_394 = tpu.memref_slice %arg9[%dma_wait3A_392, %dma_wait3A_393] : memref<1280x32xf32, #tpu.memory_space<vmem>> -> memref<128x32xf32, #tpu.memory_space<vmem>>
      %dma_wait3A_395 = arith.constant 0 : i32
      %dma_wait3A_396 = tpu.memref_slice %arg8[%add3A_281, %dma_wait3A_395] : memref<80x128xi32, #tpu.memory_space<vmem>> -> memref<1x128xi32, #tpu.memory_space<vmem>>
      %dma_wait3A_397 = tpu.memref_squeeze %dma_wait3A_396 : memref<1x128xi32, #tpu.memory_space<vmem>> -> memref<128xi32, #tpu.memory_space<vmem>>
      %dma_wait3A_398 = arith.constant 0 : i32
      %dma_wait3A_399 = arith.constant 0 : i32
      %dma_wait3A_400 = tpu.memref_slice %arg5[%dma_wait3A_398, %dma_wait3A_399] : memref<1000000x32xf32, #tpu.memory_space<hbm>> -> memref<1000000x32xf32, #tpu.memory_space<hbm>>
      tpu.wait_indirect_dma semaphore(%arg11 : memref<!tpu.dma_semaphore, #tpu.memory_space<semaphore_mem>>) src(%dma_wait3A_400 : memref<1000000x32xf32, #tpu.memory_space<hbm>>) dst(%dma_wait3A_394 : memref<128x32xf32, #tpu.memory_space<vmem>>)
      %dma_wait3A_401 = arith.constant 640 : i32
      %dma_wait3A_402 = arith.constant 0 : i32
      %dma_wait3A_403 = tpu.memref_slice %arg9[%dma_wait3A_401, %dma_wait3A_402] : memref<1280x32xf32, #tpu.memory_space<vmem>> -> memref<128x32xf32, #tpu.memory_space<vmem>>
      %dma_wait3A_404 = arith.constant 0 : i32
      %dma_wait3A_405 = tpu.memref_slice %arg8[%add3A_294, %dma_wait3A_404] : memref<80x128xi32, #tpu.memory_space<vmem>> -> memref<1x128xi32, #tpu.memory_space<vmem>>
      %dma_wait3A_406 = tpu.memref_squeeze %dma_wait3A_405 : memref<1x128xi32, #tpu.memory_space<vmem>> -> memref<128xi32, #tpu.memory_space<vmem>>
      %dma_wait3A_407 = arith.constant 0 : i32
      %dma_wait3A_408 = arith.constant 0 : i32
      %dma_wait3A_409 = tpu.memref_slice %arg5[%dma_wait3A_407, %dma_wait3A_408] : memref<1000000x32xf32, #tpu.memory_space<hbm>> -> memref<1000000x32xf32, #tpu.memory_space<hbm>>
      tpu.wait_indirect_dma semaphore(%arg11 : memref<!tpu.dma_semaphore, #tpu.memory_space<semaphore_mem>>) src(%dma_wait3A_409 : memref<1000000x32xf32, #tpu.memory_space<hbm>>) dst(%dma_wait3A_403 : memref<128x32xf32, #tpu.memory_space<vmem>>)
      %dma_wait3A_410 = arith.constant 768 : i32
      %dma_wait3A_411 = arith.constant 0 : i32
      %dma_wait3A_412 = tpu.memref_slice %arg9[%dma_wait3A_410, %dma_wait3A_411] : memref<1280x32xf32, #tpu.memory_space<vmem>> -> memref<128x32xf32, #tpu.memory_space<vmem>>
      %dma_wait3A_413 = arith.constant 0 : i32
      %dma_wait3A_414 = tpu.memref_slice %arg8[%add3A_307, %dma_wait3A_413] : memref<80x128xi32, #tpu.memory_space<vmem>> -> memref<1x128xi32, #tpu.memory_space<vmem>>
      %dma_wait3A_415 = tpu.memref_squeeze %dma_wait3A_414 : memref<1x128xi32, #tpu.memory_space<vmem>> -> memref<128xi32, #tpu.memory_space<vmem>>
      %dma_wait3A_416 = arith.constant 0 : i32
      %dma_wait3A_417 = arith.constant 0 : i32
      %dma_wait3A_418 = tpu.memref_slice %arg5[%dma_wait3A_416, %dma_wait3A_417] : memref<1000000x32xf32, #tpu.memory_space<hbm>> -> memref<1000000x32xf32, #tpu.memory_space<hbm>>
      tpu.wait_indirect_dma semaphore(%arg11 : memref<!tpu.dma_semaphore, #tpu.memory_space<semaphore_mem>>) src(%dma_wait3A_418 : memref<1000000x32xf32, #tpu.memory_space<hbm>>) dst(%dma_wait3A_412 : memref<128x32xf32, #tpu.memory_space<vmem>>)
      %dma_wait3A_419 = arith.constant 896 : i32
      %dma_wait3A_420 = arith.constant 0 : i32
      %dma_wait3A_421 = tpu.memref_slice %arg9[%dma_wait3A_419, %dma_wait3A_420] : memref<1280x32xf32, #tpu.memory_space<vmem>> -> memref<128x32xf32, #tpu.memory_space<vmem>>
      %dma_wait3A_422 = arith.constant 0 : i32
      %dma_wait3A_423 = tpu.memref_slice %arg8[%add3A_320, %dma_wait3A_422] : memref<80x128xi32, #tpu.memory_space<vmem>> -> memref<1x128xi32, #tpu.memory_space<vmem>>
      %dma_wait3A_424 = tpu.memref_squeeze %dma_wait3A_423 : memref<1x128xi32, #tpu.memory_space<vmem>> -> memref<128xi32, #tpu.memory_space<vmem>>
      %dma_wait3A_425 = arith.constant 0 : i32
      %dma_wait3A_426 = arith.constant 0 : i32
      %dma_wait3A_427 = tpu.memref_slice %arg5[%dma_wait3A_425, %dma_wait3A_426] : memref<1000000x32xf32, #tpu.memory_space<hbm>> -> memref<1000000x32xf32, #tpu.memory_space<hbm>>
      tpu.wait_indirect_dma semaphore(%arg11 : memref<!tpu.dma_semaphore, #tpu.memory_space<semaphore_mem>>) src(%dma_wait3A_427 : memref<1000000x32xf32, #tpu.memory_space<hbm>>) dst(%dma_wait3A_421 : memref<128x32xf32, #tpu.memory_space<vmem>>)
      %dma_wait3A_428 = arith.constant 1024 : i32
      %dma_wait3A_429 = arith.constant 0 : i32
      %dma_wait3A_430 = tpu.memref_slice %arg9[%dma_wait3A_428, %dma_wait3A_429] : memref<1280x32xf32, #tpu.memory_space<vmem>> -> memref<128x32xf32, #tpu.memory_space<vmem>>
      %dma_wait3A_431 = arith.constant 0 : i32
      %dma_wait3A_432 = tpu.memref_slice %arg8[%add3A_333, %dma_wait3A_431] : memref<80x128xi32, #tpu.memory_space<vmem>> -> memref<1x128xi32, #tpu.memory_space<vmem>>
      %dma_wait3A_433 = tpu.memref_squeeze %dma_wait3A_432 : memref<1x128xi32, #tpu.memory_space<vmem>> -> memref<128xi32, #tpu.memory_space<vmem>>
      %dma_wait3A_434 = arith.constant 0 : i32
      %dma_wait3A_435 = arith.constant 0 : i32
      %dma_wait3A_436 = tpu.memref_slice %arg5[%dma_wait3A_434, %dma_wait3A_435] : memref<1000000x32xf32, #tpu.memory_space<hbm>> -> memref<1000000x32xf32, #tpu.memory_space<hbm>>
      tpu.wait_indirect_dma semaphore(%arg11 : memref<!tpu.dma_semaphore, #tpu.memory_space<semaphore_mem>>) src(%dma_wait3A_436 : memref<1000000x32xf32, #tpu.memory_space<hbm>>) dst(%dma_wait3A_430 : memref<128x32xf32, #tpu.memory_space<vmem>>)
      %dma_wait3A_437 = arith.constant 1152 : i32
      %dma_wait3A_438 = arith.constant 0 : i32
      %dma_wait3A_439 = tpu.memref_slice %arg9[%dma_wait3A_437, %dma_wait3A_438] : memref<1280x32xf32, #tpu.memory_space<vmem>> -> memref<128x32xf32, #tpu.memory_space<vmem>>
      %dma_wait3A_440 = arith.constant 0 : i32
      %dma_wait3A_441 = tpu.memref_slice %arg8[%add3A_346, %dma_wait3A_440] : memref<80x128xi32, #tpu.memory_space<vmem>> -> memref<1x128xi32, #tpu.memory_space<vmem>>
      %dma_wait3A_442 = tpu.memref_squeeze %dma_wait3A_441 : memref<1x128xi32, #tpu.memory_space<vmem>> -> memref<128xi32, #tpu.memory_space<vmem>>
      %dma_wait3A_443 = arith.constant 0 : i32
      %dma_wait3A_444 = arith.constant 0 : i32
      %dma_wait3A_445 = tpu.memref_slice %arg5[%dma_wait3A_443, %dma_wait3A_444] : memref<1000000x32xf32, #tpu.memory_space<hbm>> -> memref<1000000x32xf32, #tpu.memory_space<hbm>>
      tpu.wait_indirect_dma semaphore(%arg11 : memref<!tpu.dma_semaphore, #tpu.memory_space<semaphore_mem>>) src(%dma_wait3A_445 : memref<1000000x32xf32, #tpu.memory_space<hbm>>) dst(%dma_wait3A_439 : memref<128x32xf32, #tpu.memory_space<vmem>>)
      %scan3A_446 = arith.constant 0 : i32
      %scan3A_447 = arith.constant 64 : i32
      %scan3A_448 = arith.addi %scan3A_446, %scan3A_447 : i32
      %scan3A_449 = arith.constant 1 : i32
      scf.for %scan3A_454 = %scan3A_446 to %scan3A_448 step %scan3A_449  : i32 {
        %mul3A_455 = arith.constant 20 : i32
        %mul3A_456 = arith.muli %scan3A_454, %mul3A_455 : i32
        %add3A_457 = arith.constant 0 : i32
        %add3A_458 = arith.addi %mul3A_456, %add3A_457 : i32
        %broadcast_in_dim3A = arith.constant 0 : i32
        %broadcast_in_dim3A_459 = vector.broadcast %broadcast_in_dim3A : i32 to vector<16xi32>
        %broadcast_in_dim3A_460 = arith.constant 0 : i32
        %broadcast_in_dim3A_461 = vector.broadcast %broadcast_in_dim3A_460 : i32 to vector<16xi32>
        %add3A_462 = vector.broadcast %scan3A_454 : i32 to vector<16xi32>
        %add3A_463 = arith.addi %broadcast_in_dim3A_461, %add3A_462 : vector<16xi32>
        %get3A = arith.index_cast %add3A_458 : i32 to index
        %get3A_464 = arith.constant 0 : index
        %get3A_465 = tpu.vector_load %arg9[%get3A, %get3A_464] {strides = array<i32>} : memref<1280x32xf32, #tpu.memory_space<vmem>>, vector<16xf32>,
        %add3A_466 = arith.constant 0 : i32
        %add3A_467 = vector.broadcast %add3A_466 : i32 to vector<16xi32>
        %add3A_468 = arith.addi %add3A_467, %iota3A : vector<16xi32>
        tpu.vector_store_idx %arg10[%broadcast_in_dim3A_459, %add3A_468, %add3A_463], %get3A_465 : memref<20x32x65xf32, #tpu.memory_space<vmem>>[vector<16xi32>, vector<16xi32>, vector<16xi32>], vector<16xf32>,
        %get3A_469 = arith.index_cast %add3A_458 : i32 to index
        %get3A_470 = arith.constant 16 : index
        %get3A_471 = tpu.vector_load %arg9[%get3A_469, %get3A_470] {strides = array<i32>} : memref<1280x32xf32, #tpu.memory_space<vmem>>, vector<16xf32>,
        %add3A_472 = arith.constant 16 : i32
        %add3A_473 = vector.broadcast %add3A_472 : i32 to vector<16xi32>
        %add3A_474 = arith.addi %add3A_473, %iota3A : vector<16xi32>
        tpu.vector_store_idx %arg10[%broadcast_in_dim3A_459, %add3A_474, %add3A_463], %get3A_471 : memref<20x32x65xf32, #tpu.memory_space<vmem>>[vector<16xi32>, vector<16xi32>, vector<16xi32>], vector<16xf32>,
        %mul3A_475 = arith.constant 20 : i32
        %mul3A_476 = arith.muli %scan3A_454, %mul3A_475 : i32
        %add3A_477 = arith.constant 1 : i32
        %add3A_478 = arith.addi %mul3A_476, %add3A_477 : i32
        %broadcast_in_dim3A_479 = arith.constant 1 : i32
        %broadcast_in_dim3A_480 = vector.broadcast %broadcast_in_dim3A_479 : i32 to vector<16xi32>
        %broadcast_in_dim3A_481 = arith.constant 0 : i32
        %broadcast_in_dim3A_482 = vector.broadcast %broadcast_in_dim3A_481 : i32 to vector<16xi32>
        %add3A_483 = vector.broadcast %scan3A_454 : i32 to vector<16xi32>
        %add3A_484 = arith.addi %broadcast_in_dim3A_482, %add3A_483 : vector<16xi32>
        %get3A_485 = arith.index_cast %add3A_478 : i32 to index
        %get3A_486 = arith.constant 0 : index
        %get3A_487 = tpu.vector_load %arg9[%get3A_485, %get3A_486] {strides = array<i32>} : memref<1280x32xf32, #tpu.memory_space<vmem>>, vector<16xf32>,
        %add3A_488 = arith.constant 0 : i32
        %add3A_489 = vector.broadcast %add3A_488 : i32 to vector<16xi32>
        %add3A_490 = arith.addi %add3A_489, %iota3A : vector<16xi32>
        tpu.vector_store_idx %arg10[%broadcast_in_dim3A_480, %add3A_490, %add3A_484], %get3A_487 : memref<20x32x65xf32, #tpu.memory_space<vmem>>[vector<16xi32>, vector<16xi32>, vector<16xi32>], vector<16xf32>,
        %get3A_491 = arith.index_cast %add3A_478 : i32 to index
        %get3A_492 = arith.constant 16 : index
        %get3A_493 = tpu.vector_load %arg9[%get3A_491, %get3A_492] {strides = array<i32>} : memref<1280x32xf32, #tpu.memory_space<vmem>>, vector<16xf32>,
        %add3A_494 = arith.constant 16 : i32
        %add3A_495 = vector.broadcast %add3A_494 : i32 to vector<16xi32>
        %add3A_496 = arith.addi %add3A_495, %iota3A : vector<16xi32>
        tpu.vector_store_idx %arg10[%broadcast_in_dim3A_480, %add3A_496, %add3A_484], %get3A_493 : memref<20x32x65xf32, #tpu.memory_space<vmem>>[vector<16xi32>, vector<16xi32>, vector<16xi32>], vector<16xf32>,
        %mul3A_497 = arith.constant 20 : i32
        %mul3A_498 = arith.muli %scan3A_454, %mul3A_497 : i32
        %add3A_499 = arith.constant 2 : i32
        %add3A_500 = arith.addi %mul3A_498, %add3A_499 : i32
        %broadcast_in_dim3A_501 = arith.constant 2 : i32
        %broadcast_in_dim3A_502 = vector.broadcast %broadcast_in_dim3A_501 : i32 to vector<16xi32>
        %broadcast_in_dim3A_503 = arith.constant 0 : i32
        %broadcast_in_dim3A_504 = vector.broadcast %broadcast_in_dim3A_503 : i32 to vector<16xi32>
        %add3A_505 = vector.broadcast %scan3A_454 : i32 to vector<16xi32>
        %add3A_506 = arith.addi %broadcast_in_dim3A_504, %add3A_505 : vector<16xi32>
        %get3A_507 = arith.index_cast %add3A_500 : i32 to index
        %get3A_508 = arith.constant 0 : index
        %get3A_509 = tpu.vector_load %arg9[%get3A_507, %get3A_508] {strides = array<i32>} : memref<1280x32xf32, #tpu.memory_space<vmem>>, vector<16xf32>,
        %add3A_510 = arith.constant 0 : i32
        %add3A_511 = vector.broadcast %add3A_510 : i32 to vector<16xi32>
        %add3A_512 = arith.addi %add3A_511, %iota3A : vector<16xi32>
        tpu.vector_store_idx %arg10[%broadcast_in_dim3A_502, %add3A_512, %add3A_506], %get3A_509 : memref<20x32x65xf32, #tpu.memory_space<vmem>>[vector<16xi32>, vector<16xi32>, vector<16xi32>], vector<16xf32>,
        %get3A_513 = arith.index_cast %add3A_500 : i32 to index
        %get3A_514 = arith.constant 16 : index
        %get3A_515 = tpu.vector_load %arg9[%get3A_513, %get3A_514] {strides = array<i32>} : memref<1280x32xf32, #tpu.memory_space<vmem>>, vector<16xf32>,
        %add3A_516 = arith.constant 16 : i32
        %add3A_517 = vector.broadcast %add3A_516 : i32 to vector<16xi32>
        %add3A_518 = arith.addi %add3A_517, %iota3A : vector<16xi32>
        tpu.vector_store_idx %arg10[%broadcast_in_dim3A_502, %add3A_518, %add3A_506], %get3A_515 : memref<20x32x65xf32, #tpu.memory_space<vmem>>[vector<16xi32>, vector<16xi32>, vector<16xi32>], vector<16xf32>,
        %mul3A_519 = arith.constant 20 : i32
        %mul3A_520 = arith.muli %scan3A_454, %mul3A_519 : i32
        %add3A_521 = arith.constant 3 : i32
        %add3A_522 = arith.addi %mul3A_520, %add3A_521 : i32
        %broadcast_in_dim3A_523 = arith.constant 3 : i32
        %broadcast_in_dim3A_524 = vector.broadcast %broadcast_in_dim3A_523 : i32 to vector<16xi32>
        %broadcast_in_dim3A_525 = arith.constant 0 : i32
        %broadcast_in_dim3A_526 = vector.broadcast %broadcast_in_dim3A_525 : i32 to vector<16xi32>
        %add3A_527 = vector.broadcast %scan3A_454 : i32 to vector<16xi32>
        %add3A_528 = arith.addi %broadcast_in_dim3A_526, %add3A_527 : vector<16xi32>
        %get3A_529 = arith.index_cast %add3A_522 : i32 to index
        %get3A_530 = arith.constant 0 : index
        %get3A_531 = tpu.vector_load %arg9[%get3A_529, %get3A_530] {strides = array<i32>} : memref<1280x32xf32, #tpu.memory_space<vmem>>, vector<16xf32>,
        %add3A_532 = arith.constant 0 : i32
        %add3A_533 = vector.broadcast %add3A_532 : i32 to vector<16xi32>
        %add3A_534 = arith.addi %add3A_533, %iota3A : vector<16xi32>
        tpu.vector_store_idx %arg10[%broadcast_in_dim3A_524, %add3A_534, %add3A_528], %get3A_531 : memref<20x32x65xf32, #tpu.memory_space<vmem>>[vector<16xi32>, vector<16xi32>, vector<16xi32>], vector<16xf32>,
        %get3A_535 = arith.index_cast %add3A_522 : i32 to index
        %get3A_536 = arith.constant 16 : index
        %get3A_537 = tpu.vector_load %arg9[%get3A_535, %get3A_536] {strides = array<i32>} : memref<1280x32xf32, #tpu.memory_space<vmem>>, vector<16xf32>,
        %add3A_538 = arith.constant 16 : i32
        %add3A_539 = vector.broadcast %add3A_538 : i32 to vector<16xi32>
        %add3A_540 = arith.addi %add3A_539, %iota3A : vector<16xi32>
        tpu.vector_store_idx %arg10[%broadcast_in_dim3A_524, %add3A_540, %add3A_528], %get3A_537 : memref<20x32x65xf32, #tpu.memory_space<vmem>>[vector<16xi32>, vector<16xi32>, vector<16xi32>], vector<16xf32>,
        %mul3A_541 = arith.constant 20 : i32
        %mul3A_542 = arith.muli %scan3A_454, %mul3A_541 : i32
        %add3A_543 = arith.constant 4 : i32
        %add3A_544 = arith.addi %mul3A_542, %add3A_543 : i32
        %broadcast_in_dim3A_545 = arith.constant 4 : i32
        %broadcast_in_dim3A_546 = vector.broadcast %broadcast_in_dim3A_545 : i32 to vector<16xi32>
        %broadcast_in_dim3A_547 = arith.constant 0 : i32
        %broadcast_in_dim3A_548 = vector.broadcast %broadcast_in_dim3A_547 : i32 to vector<16xi32>
        %add3A_549 = vector.broadcast %scan3A_454 : i32 to vector<16xi32>
        %add3A_550 = arith.addi %broadcast_in_dim3A_548, %add3A_549 : vector<16xi32>
        %get3A_551 = arith.index_cast %add3A_544 : i32 to index
        %get3A_552 = arith.constant 0 : index
        %get3A_553 = tpu.vector_load %arg9[%get3A_551, %get3A_552] {strides = array<i32>} : memref<1280x32xf32, #tpu.memory_space<vmem>>, vector<16xf32>,
        %add3A_554 = arith.constant 0 : i32
        %add3A_555 = vector.broadcast %add3A_554 : i32 to vector<16xi32>
        %add3A_556 = arith.addi %add3A_555, %iota3A : vector<16xi32>
        tpu.vector_store_idx %arg10[%broadcast_in_dim3A_546, %add3A_556, %add3A_550], %get3A_553 : memref<20x32x65xf32, #tpu.memory_space<vmem>>[vector<16xi32>, vector<16xi32>, vector<16xi32>], vector<16xf32>,
        %get3A_557 = arith.index_cast %add3A_544 : i32 to index
        %get3A_558 = arith.constant 16 : index
        %get3A_559 = tpu.vector_load %arg9[%get3A_557, %get3A_558] {strides = array<i32>} : memref<1280x32xf32, #tpu.memory_space<vmem>>, vector<16xf32>,
        %add3A_560 = arith.constant 16 : i32
        %add3A_561 = vector.broadcast %add3A_560 : i32 to vector<16xi32>
        %add3A_562 = arith.addi %add3A_561, %iota3A : vector<16xi32>
        tpu.vector_store_idx %arg10[%broadcast_in_dim3A_546, %add3A_562, %add3A_550], %get3A_559 : memref<20x32x65xf32, #tpu.memory_space<vmem>>[vector<16xi32>, vector<16xi32>, vector<16xi32>], vector<16xf32>,
        %mul3A_563 = arith.constant 20 : i32
        %mul3A_564 = arith.muli %scan3A_454, %mul3A_563 : i32
        %add3A_565 = arith.constant 5 : i32
        %add3A_566 = arith.addi %mul3A_564, %add3A_565 : i32
        %broadcast_in_dim3A_567 = arith.constant 5 : i32
        %broadcast_in_dim3A_568 = vector.broadcast %broadcast_in_dim3A_567 : i32 to vector<16xi32>
        %broadcast_in_dim3A_569 = arith.constant 0 : i32
        %broadcast_in_dim3A_570 = vector.broadcast %broadcast_in_dim3A_569 : i32 to vector<16xi32>
        %add3A_571 = vector.broadcast %scan3A_454 : i32 to vector<16xi32>
        %add3A_572 = arith.addi %broadcast_in_dim3A_570, %add3A_571 : vector<16xi32>
        %get3A_573 = arith.index_cast %add3A_566 : i32 to index
        %get3A_574 = arith.constant 0 : index
        %get3A_575 = tpu.vector_load %arg9[%get3A_573, %get3A_574] {strides = array<i32>} : memref<1280x32xf32, #tpu.memory_space<vmem>>, vector<16xf32>,
        %add3A_576 = arith.constant 0 : i32
        %add3A_577 = vector.broadcast %add3A_576 : i32 to vector<16xi32>
        %add3A_578 = arith.addi %add3A_577, %iota3A : vector<16xi32>
        tpu.vector_store_idx %arg10[%broadcast_in_dim3A_568, %add3A_578, %add3A_572], %get3A_575 : memref<20x32x65xf32, #tpu.memory_space<vmem>>[vector<16xi32>, vector<16xi32>, vector<16xi32>], vector<16xf32>,
        %get3A_579 = arith.index_cast %add3A_566 : i32 to index
        %get3A_580 = arith.constant 16 : index
        %get3A_581 = tpu.vector_load %arg9[%get3A_579, %get3A_580] {strides = array<i32>} : memref<1280x32xf32, #tpu.memory_space<vmem>>, vector<16xf32>,
        %add3A_582 = arith.constant 16 : i32
        %add3A_583 = vector.broadcast %add3A_582 : i32 to vector<16xi32>
        %add3A_584 = arith.addi %add3A_583, %iota3A : vector<16xi32>
        tpu.vector_store_idx %arg10[%broadcast_in_dim3A_568, %add3A_584, %add3A_572], %get3A_581 : memref<20x32x65xf32, #tpu.memory_space<vmem>>[vector<16xi32>, vector<16xi32>, vector<16xi32>], vector<16xf32>,
        %mul3A_585 = arith.constant 20 : i32
        %mul3A_586 = arith.muli %scan3A_454, %mul3A_585 : i32
        %add3A_587 = arith.constant 6 : i32
        %add3A_588 = arith.addi %mul3A_586, %add3A_587 : i32
        %broadcast_in_dim3A_589 = arith.constant 6 : i32
        %broadcast_in_dim3A_590 = vector.broadcast %broadcast_in_dim3A_589 : i32 to vector<16xi32>
        %broadcast_in_dim3A_591 = arith.constant 0 : i32
        %broadcast_in_dim3A_592 = vector.broadcast %broadcast_in_dim3A_591 : i32 to vector<16xi32>
        %add3A_593 = vector.broadcast %scan3A_454 : i32 to vector<16xi32>
        %add3A_594 = arith.addi %broadcast_in_dim3A_592, %add3A_593 : vector<16xi32>
        %get3A_595 = arith.index_cast %add3A_588 : i32 to index
        %get3A_596 = arith.constant 0 : index
        %get3A_597 = tpu.vector_load %arg9[%get3A_595, %get3A_596] {strides = array<i32>} : memref<1280x32xf32, #tpu.memory_space<vmem>>, vector<16xf32>,
        %add3A_598 = arith.constant 0 : i32
        %add3A_599 = vector.broadcast %add3A_598 : i32 to vector<16xi32>
        %add3A_600 = arith.addi %add3A_599, %iota3A : vector<16xi32>
        tpu.vector_store_idx %arg10[%broadcast_in_dim3A_590, %add3A_600, %add3A_594], %get3A_597 : memref<20x32x65xf32, #tpu.memory_space<vmem>>[vector<16xi32>, vector<16xi32>, vector<16xi32>], vector<16xf32>,
        %get3A_601 = arith.index_cast %add3A_588 : i32 to index
        %get3A_602 = arith.constant 16 : index
        %get3A_603 = tpu.vector_load %arg9[%get3A_601, %get3A_602] {strides = array<i32>} : memref<1280x32xf32, #tpu.memory_space<vmem>>, vector<16xf32>,
        %add3A_604 = arith.constant 16 : i32
        %add3A_605 = vector.broadcast %add3A_604 : i32 to vector<16xi32>
        %add3A_606 = arith.addi %add3A_605, %iota3A : vector<16xi32>
        tpu.vector_store_idx %arg10[%broadcast_in_dim3A_590, %add3A_606, %add3A_594], %get3A_603 : memref<20x32x65xf32, #tpu.memory_space<vmem>>[vector<16xi32>, vector<16xi32>, vector<16xi32>], vector<16xf32>,
        %mul3A_607 = arith.constant 20 : i32
        %mul3A_608 = arith.muli %scan3A_454, %mul3A_607 : i32
        %add3A_609 = arith.constant 7 : i32
        %add3A_610 = arith.addi %mul3A_608, %add3A_609 : i32
        %broadcast_in_dim3A_611 = arith.constant 7 : i32
        %broadcast_in_dim3A_612 = vector.broadcast %broadcast_in_dim3A_611 : i32 to vector<16xi32>
        %broadcast_in_dim3A_613 = arith.constant 0 : i32
        %broadcast_in_dim3A_614 = vector.broadcast %broadcast_in_dim3A_613 : i32 to vector<16xi32>
        %add3A_615 = vector.broadcast %scan3A_454 : i32 to vector<16xi32>
        %add3A_616 = arith.addi %broadcast_in_dim3A_614, %add3A_615 : vector<16xi32>
        %get3A_617 = arith.index_cast %add3A_610 : i32 to index
        %get3A_618 = arith.constant 0 : index
        %get3A_619 = tpu.vector_load %arg9[%get3A_617, %get3A_618] {strides = array<i32>} : memref<1280x32xf32, #tpu.memory_space<vmem>>, vector<16xf32>,
        %add3A_620 = arith.constant 0 : i32
        %add3A_621 = vector.broadcast %add3A_620 : i32 to vector<16xi32>
        %add3A_622 = arith.addi %add3A_621, %iota3A : vector<16xi32>
        tpu.vector_store_idx %arg10[%broadcast_in_dim3A_612, %add3A_622, %add3A_616], %get3A_619 : memref<20x32x65xf32, #tpu.memory_space<vmem>>[vector<16xi32>, vector<16xi32>, vector<16xi32>], vector<16xf32>,
        %get3A_623 = arith.index_cast %add3A_610 : i32 to index
        %get3A_624 = arith.constant 16 : index
        %get3A_625 = tpu.vector_load %arg9[%get3A_623, %get3A_624] {strides = array<i32>} : memref<1280x32xf32, #tpu.memory_space<vmem>>, vector<16xf32>,
        %add3A_626 = arith.constant 16 : i32
        %add3A_627 = vector.broadcast %add3A_626 : i32 to vector<16xi32>
        %add3A_628 = arith.addi %add3A_627, %iota3A : vector<16xi32>
        tpu.vector_store_idx %arg10[%broadcast_in_dim3A_612, %add3A_628, %add3A_616], %get3A_625 : memref<20x32x65xf32, #tpu.memory_space<vmem>>[vector<16xi32>, vector<16xi32>, vector<16xi32>], vector<16xf32>,
        %mul3A_629 = arith.constant 20 : i32
        %mul3A_630 = arith.muli %scan3A_454, %mul3A_629 : i32
        %add3A_631 = arith.constant 8 : i32
        %add3A_632 = arith.addi %mul3A_630, %add3A_631 : i32
        %broadcast_in_dim3A_633 = arith.constant 8 : i32
        %broadcast_in_dim3A_634 = vector.broadcast %broadcast_in_dim3A_633 : i32 to vector<16xi32>
        %broadcast_in_dim3A_635 = arith.constant 0 : i32
        %broadcast_in_dim3A_636 = vector.broadcast %broadcast_in_dim3A_635 : i32 to vector<16xi32>
        %add3A_637 = vector.broadcast %scan3A_454 : i32 to vector<16xi32>
        %add3A_638 = arith.addi %broadcast_in_dim3A_636, %add3A_637 : vector<16xi32>
        %get3A_639 = arith.index_cast %add3A_632 : i32 to index
        %get3A_640 = arith.constant 0 : index
        %get3A_641 = tpu.vector_load %arg9[%get3A_639, %get3A_640] {strides = array<i32>} : memref<1280x32xf32, #tpu.memory_space<vmem>>, vector<16xf32>,
        %add3A_642 = arith.constant 0 : i32
        %add3A_643 = vector.broadcast %add3A_642 : i32 to vector<16xi32>
        %add3A_644 = arith.addi %add3A_643, %iota3A : vector<16xi32>
        tpu.vector_store_idx %arg10[%broadcast_in_dim3A_634, %add3A_644, %add3A_638], %get3A_641 : memref<20x32x65xf32, #tpu.memory_space<vmem>>[vector<16xi32>, vector<16xi32>, vector<16xi32>], vector<16xf32>,
        %get3A_645 = arith.index_cast %add3A_632 : i32 to index
        %get3A_646 = arith.constant 16 : index
        %get3A_647 = tpu.vector_load %arg9[%get3A_645, %get3A_646] {strides = array<i32>} : memref<1280x32xf32, #tpu.memory_space<vmem>>, vector<16xf32>,
        %add3A_648 = arith.constant 16 : i32
        %add3A_649 = vector.broadcast %add3A_648 : i32 to vector<16xi32>
        %add3A_650 = arith.addi %add3A_649, %iota3A : vector<16xi32>
        tpu.vector_store_idx %arg10[%broadcast_in_dim3A_634, %add3A_650, %add3A_638], %get3A_647 : memref<20x32x65xf32, #tpu.memory_space<vmem>>[vector<16xi32>, vector<16xi32>, vector<16xi32>], vector<16xf32>,
        %mul3A_651 = arith.constant 20 : i32
        %mul3A_652 = arith.muli %scan3A_454, %mul3A_651 : i32
        %add3A_653 = arith.constant 9 : i32
        %add3A_654 = arith.addi %mul3A_652, %add3A_653 : i32
        %broadcast_in_dim3A_655 = arith.constant 9 : i32
        %broadcast_in_dim3A_656 = vector.broadcast %broadcast_in_dim3A_655 : i32 to vector<16xi32>
        %broadcast_in_dim3A_657 = arith.constant 0 : i32
        %broadcast_in_dim3A_658 = vector.broadcast %broadcast_in_dim3A_657 : i32 to vector<16xi32>
        %add3A_659 = vector.broadcast %scan3A_454 : i32 to vector<16xi32>
        %add3A_660 = arith.addi %broadcast_in_dim3A_658, %add3A_659 : vector<16xi32>
        %get3A_661 = arith.index_cast %add3A_654 : i32 to index
        %get3A_662 = arith.constant 0 : index
        %get3A_663 = tpu.vector_load %arg9[%get3A_661, %get3A_662] {strides = array<i32>} : memref<1280x32xf32, #tpu.memory_space<vmem>>, vector<16xf32>,
        %add3A_664 = arith.constant 0 : i32
        %add3A_665 = vector.broadcast %add3A_664 : i32 to vector<16xi32>
        %add3A_666 = arith.addi %add3A_665, %iota3A : vector<16xi32>
        tpu.vector_store_idx %arg10[%broadcast_in_dim3A_656, %add3A_666, %add3A_660], %get3A_663 : memref<20x32x65xf32, #tpu.memory_space<vmem>>[vector<16xi32>, vector<16xi32>, vector<16xi32>], vector<16xf32>,
        %get3A_667 = arith.index_cast %add3A_654 : i32 to index
        %get3A_668 = arith.constant 16 : index
        %get3A_669 = tpu.vector_load %arg9[%get3A_667, %get3A_668] {strides = array<i32>} : memref<1280x32xf32, #tpu.memory_space<vmem>>, vector<16xf32>,
        %add3A_670 = arith.constant 16 : i32
        %add3A_671 = vector.broadcast %add3A_670 : i32 to vector<16xi32>
        %add3A_672 = arith.addi %add3A_671, %iota3A : vector<16xi32>
        tpu.vector_store_idx %arg10[%broadcast_in_dim3A_656, %add3A_672, %add3A_660], %get3A_669 : memref<20x32x65xf32, #tpu.memory_space<vmem>>[vector<16xi32>, vector<16xi32>, vector<16xi32>], vector<16xf32>,
        %mul3A_673 = arith.constant 20 : i32
        %mul3A_674 = arith.muli %scan3A_454, %mul3A_673 : i32
        %add3A_675 = arith.constant 10 : i32
        %add3A_676 = arith.addi %mul3A_674, %add3A_675 : i32
        %broadcast_in_dim3A_677 = arith.constant 10 : i32
        %broadcast_in_dim3A_678 = vector.broadcast %broadcast_in_dim3A_677 : i32 to vector<16xi32>
        %broadcast_in_dim3A_679 = arith.constant 0 : i32
        %broadcast_in_dim3A_680 = vector.broadcast %broadcast_in_dim3A_679 : i32 to vector<16xi32>
        %add3A_681 = vector.broadcast %scan3A_454 : i32 to vector<16xi32>
        %add3A_682 = arith.addi %broadcast_in_dim3A_680, %add3A_681 : vector<16xi32>
        %get3A_683 = arith.index_cast %add3A_676 : i32 to index
        %get3A_684 = arith.constant 0 : index
        %get3A_685 = tpu.vector_load %arg9[%get3A_683, %get3A_684] {strides = array<i32>} : memref<1280x32xf32, #tpu.memory_space<vmem>>, vector<16xf32>,
        %add3A_686 = arith.constant 0 : i32
        %add3A_687 = vector.broadcast %add3A_686 : i32 to vector<16xi32>
        %add3A_688 = arith.addi %add3A_687, %iota3A : vector<16xi32>
        tpu.vector_store_idx %arg10[%broadcast_in_dim3A_678, %add3A_688, %add3A_682], %get3A_685 : memref<20x32x65xf32, #tpu.memory_space<vmem>>[vector<16xi32>, vector<16xi32>, vector<16xi32>], vector<16xf32>,
        %get3A_689 = arith.index_cast %add3A_676 : i32 to index
        %get3A_690 = arith.constant 16 : index
        %get3A_691 = tpu.vector_load %arg9[%get3A_689, %get3A_690] {strides = array<i32>} : memref<1280x32xf32, #tpu.memory_space<vmem>>, vector<16xf32>,
        %add3A_692 = arith.constant 16 : i32
        %add3A_693 = vector.broadcast %add3A_692 : i32 to vector<16xi32>
        %add3A_694 = arith.addi %add3A_693, %iota3A : vector<16xi32>
        tpu.vector_store_idx %arg10[%broadcast_in_dim3A_678, %add3A_694, %add3A_682], %get3A_691 : memref<20x32x65xf32, #tpu.memory_space<vmem>>[vector<16xi32>, vector<16xi32>, vector<16xi32>], vector<16xf32>,
        %mul3A_695 = arith.constant 20 : i32
        %mul3A_696 = arith.muli %scan3A_454, %mul3A_695 : i32
        %add3A_697 = arith.constant 11 : i32
        %add3A_698 = arith.addi %mul3A_696, %add3A_697 : i32
        %broadcast_in_dim3A_699 = arith.constant 11 : i32
        %broadcast_in_dim3A_700 = vector.broadcast %broadcast_in_dim3A_699 : i32 to vector<16xi32>
        %broadcast_in_dim3A_701 = arith.constant 0 : i32
        %broadcast_in_dim3A_702 = vector.broadcast %broadcast_in_dim3A_701 : i32 to vector<16xi32>
        %add3A_703 = vector.broadcast %scan3A_454 : i32 to vector<16xi32>
        %add3A_704 = arith.addi %broadcast_in_dim3A_702, %add3A_703 : vector<16xi32>
        %get3A_705 = arith.index_cast %add3A_698 : i32 to index
        %get3A_706 = arith.constant 0 : index
        %get3A_707 = tpu.vector_load %arg9[%get3A_705, %get3A_706] {strides = array<i32>} : memref<1280x32xf32, #tpu.memory_space<vmem>>, vector<16xf32>,
        %add3A_708 = arith.constant 0 : i32
        %add3A_709 = vector.broadcast %add3A_708 : i32 to vector<16xi32>
        %add3A_710 = arith.addi %add3A_709, %iota3A : vector<16xi32>
        tpu.vector_store_idx %arg10[%broadcast_in_dim3A_700, %add3A_710, %add3A_704], %get3A_707 : memref<20x32x65xf32, #tpu.memory_space<vmem>>[vector<16xi32>, vector<16xi32>, vector<16xi32>], vector<16xf32>,
        %get3A_711 = arith.index_cast %add3A_698 : i32 to index
        %get3A_712 = arith.constant 16 : index
        %get3A_713 = tpu.vector_load %arg9[%get3A_711, %get3A_712] {strides = array<i32>} : memref<1280x32xf32, #tpu.memory_space<vmem>>, vector<16xf32>,
        %add3A_714 = arith.constant 16 : i32
        %add3A_715 = vector.broadcast %add3A_714 : i32 to vector<16xi32>
        %add3A_716 = arith.addi %add3A_715, %iota3A : vector<16xi32>
        tpu.vector_store_idx %arg10[%broadcast_in_dim3A_700, %add3A_716, %add3A_704], %get3A_713 : memref<20x32x65xf32, #tpu.memory_space<vmem>>[vector<16xi32>, vector<16xi32>, vector<16xi32>], vector<16xf32>,
        %mul3A_717 = arith.constant 20 : i32
        %mul3A_718 = arith.muli %scan3A_454, %mul3A_717 : i32
        %add3A_719 = arith.constant 12 : i32
        %add3A_720 = arith.addi %mul3A_718, %add3A_719 : i32
        %broadcast_in_dim3A_721 = arith.constant 12 : i32
        %broadcast_in_dim3A_722 = vector.broadcast %broadcast_in_dim3A_721 : i32 to vector<16xi32>
        %broadcast_in_dim3A_723 = arith.constant 0 : i32
        %broadcast_in_dim3A_724 = vector.broadcast %broadcast_in_dim3A_723 : i32 to vector<16xi32>
        %add3A_725 = vector.broadcast %scan3A_454 : i32 to vector<16xi32>
        %add3A_726 = arith.addi %broadcast_in_dim3A_724, %add3A_725 : vector<16xi32>
        %get3A_727 = arith.index_cast %add3A_720 : i32 to index
        %get3A_728 = arith.constant 0 : index
        %get3A_729 = tpu.vector_load %arg9[%get3A_727, %get3A_728] {strides = array<i32>} : memref<1280x32xf32, #tpu.memory_space<vmem>>, vector<16xf32>,
        %add3A_730 = arith.constant 0 : i32
        %add3A_731 = vector.broadcast %add3A_730 : i32 to vector<16xi32>
        %add3A_732 = arith.addi %add3A_731, %iota3A : vector<16xi32>
        tpu.vector_store_idx %arg10[%broadcast_in_dim3A_722, %add3A_732, %add3A_726], %get3A_729 : memref<20x32x65xf32, #tpu.memory_space<vmem>>[vector<16xi32>, vector<16xi32>, vector<16xi32>], vector<16xf32>,
        %get3A_733 = arith.index_cast %add3A_720 : i32 to index
        %get3A_734 = arith.constant 16 : index
        %get3A_735 = tpu.vector_load %arg9[%get3A_733, %get3A_734] {strides = array<i32>} : memref<1280x32xf32, #tpu.memory_space<vmem>>, vector<16xf32>,
        %add3A_736 = arith.constant 16 : i32
        %add3A_737 = vector.broadcast %add3A_736 : i32 to vector<16xi32>
        %add3A_738 = arith.addi %add3A_737, %iota3A : vector<16xi32>
        tpu.vector_store_idx %arg10[%broadcast_in_dim3A_722, %add3A_738, %add3A_726], %get3A_735 : memref<20x32x65xf32, #tpu.memory_space<vmem>>[vector<16xi32>, vector<16xi32>, vector<16xi32>], vector<16xf32>,
        %mul3A_739 = arith.constant 20 : i32
        %mul3A_740 = arith.muli %scan3A_454, %mul3A_739 : i32
        %add3A_741 = arith.constant 13 : i32
        %add3A_742 = arith.addi %mul3A_740, %add3A_741 : i32
        %broadcast_in_dim3A_743 = arith.constant 13 : i32
        %broadcast_in_dim3A_744 = vector.broadcast %broadcast_in_dim3A_743 : i32 to vector<16xi32>
        %broadcast_in_dim3A_745 = arith.constant 0 : i32
        %broadcast_in_dim3A_746 = vector.broadcast %broadcast_in_dim3A_745 : i32 to vector<16xi32>
        %add3A_747 = vector.broadcast %scan3A_454 : i32 to vector<16xi32>
        %add3A_748 = arith.addi %broadcast_in_dim3A_746, %add3A_747 : vector<16xi32>
        %get3A_749 = arith.index_cast %add3A_742 : i32 to index
        %get3A_750 = arith.constant 0 : index
        %get3A_751 = tpu.vector_load %arg9[%get3A_749, %get3A_750] {strides = array<i32>} : memref<1280x32xf32, #tpu.memory_space<vmem>>, vector<16xf32>,
        %add3A_752 = arith.constant 0 : i32
        %add3A_753 = vector.broadcast %add3A_752 : i32 to vector<16xi32>
        %add3A_754 = arith.addi %add3A_753, %iota3A : vector<16xi32>
        tpu.vector_store_idx %arg10[%broadcast_in_dim3A_744, %add3A_754, %add3A_748], %get3A_751 : memref<20x32x65xf32, #tpu.memory_space<vmem>>[vector<16xi32>, vector<16xi32>, vector<16xi32>], vector<16xf32>,
        %get3A_755 = arith.index_cast %add3A_742 : i32 to index
        %get3A_756 = arith.constant 16 : index
        %get3A_757 = tpu.vector_load %arg9[%get3A_755, %get3A_756] {strides = array<i32>} : memref<1280x32xf32, #tpu.memory_space<vmem>>, vector<16xf32>,
        %add3A_758 = arith.constant 16 : i32
        %add3A_759 = vector.broadcast %add3A_758 : i32 to vector<16xi32>
        %add3A_760 = arith.addi %add3A_759, %iota3A : vector<16xi32>
        tpu.vector_store_idx %arg10[%broadcast_in_dim3A_744, %add3A_760, %add3A_748], %get3A_757 : memref<20x32x65xf32, #tpu.memory_space<vmem>>[vector<16xi32>, vector<16xi32>, vector<16xi32>], vector<16xf32>,
        %mul3A_761 = arith.constant 20 : i32
        %mul3A_762 = arith.muli %scan3A_454, %mul3A_761 : i32
        %add3A_763 = arith.constant 14 : i32
        %add3A_764 = arith.addi %mul3A_762, %add3A_763 : i32
        %broadcast_in_dim3A_765 = arith.constant 14 : i32
        %broadcast_in_dim3A_766 = vector.broadcast %broadcast_in_dim3A_765 : i32 to vector<16xi32>
        %broadcast_in_dim3A_767 = arith.constant 0 : i32
        %broadcast_in_dim3A_768 = vector.broadcast %broadcast_in_dim3A_767 : i32 to vector<16xi32>
        %add3A_769 = vector.broadcast %scan3A_454 : i32 to vector<16xi32>
        %add3A_770 = arith.addi %broadcast_in_dim3A_768, %add3A_769 : vector<16xi32>
        %get3A_771 = arith.index_cast %add3A_764 : i32 to index
        %get3A_772 = arith.constant 0 : index
        %get3A_773 = tpu.vector_load %arg9[%get3A_771, %get3A_772] {strides = array<i32>} : memref<1280x32xf32, #tpu.memory_space<vmem>>, vector<16xf32>,
        %add3A_774 = arith.constant 0 : i32
        %add3A_775 = vector.broadcast %add3A_774 : i32 to vector<16xi32>
        %add3A_776 = arith.addi %add3A_775, %iota3A : vector<16xi32>
        tpu.vector_store_idx %arg10[%broadcast_in_dim3A_766, %add3A_776, %add3A_770], %get3A_773 : memref<20x32x65xf32, #tpu.memory_space<vmem>>[vector<16xi32>, vector<16xi32>, vector<16xi32>], vector<16xf32>,
        %get3A_777 = arith.index_cast %add3A_764 : i32 to index
        %get3A_778 = arith.constant 16 : index
        %get3A_779 = tpu.vector_load %arg9[%get3A_777, %get3A_778] {strides = array<i32>} : memref<1280x32xf32, #tpu.memory_space<vmem>>, vector<16xf32>,
        %add3A_780 = arith.constant 16 : i32
        %add3A_781 = vector.broadcast %add3A_780 : i32 to vector<16xi32>
        %add3A_782 = arith.addi %add3A_781, %iota3A : vector<16xi32>
        tpu.vector_store_idx %arg10[%broadcast_in_dim3A_766, %add3A_782, %add3A_770], %get3A_779 : memref<20x32x65xf32, #tpu.memory_space<vmem>>[vector<16xi32>, vector<16xi32>, vector<16xi32>], vector<16xf32>,
        %mul3A_783 = arith.constant 20 : i32
        %mul3A_784 = arith.muli %scan3A_454, %mul3A_783 : i32
        %add3A_785 = arith.constant 15 : i32
        %add3A_786 = arith.addi %mul3A_784, %add3A_785 : i32
        %broadcast_in_dim3A_787 = arith.constant 15 : i32
        %broadcast_in_dim3A_788 = vector.broadcast %broadcast_in_dim3A_787 : i32 to vector<16xi32>
        %broadcast_in_dim3A_789 = arith.constant 0 : i32
        %broadcast_in_dim3A_790 = vector.broadcast %broadcast_in_dim3A_789 : i32 to vector<16xi32>
        %add3A_791 = vector.broadcast %scan3A_454 : i32 to vector<16xi32>
        %add3A_792 = arith.addi %broadcast_in_dim3A_790, %add3A_791 : vector<16xi32>
        %get3A_793 = arith.index_cast %add3A_786 : i32 to index
        %get3A_794 = arith.constant 0 : index
        %get3A_795 = tpu.vector_load %arg9[%get3A_793, %get3A_794] {strides = array<i32>} : memref<1280x32xf32, #tpu.memory_space<vmem>>, vector<16xf32>,
        %add3A_796 = arith.constant 0 : i32
        %add3A_797 = vector.broadcast %add3A_796 : i32 to vector<16xi32>
        %add3A_798 = arith.addi %add3A_797, %iota3A : vector<16xi32>
        tpu.vector_store_idx %arg10[%broadcast_in_dim3A_788, %add3A_798, %add3A_792], %get3A_795 : memref<20x32x65xf32, #tpu.memory_space<vmem>>[vector<16xi32>, vector<16xi32>, vector<16xi32>], vector<16xf32>,
        %get3A_799 = arith.index_cast %add3A_786 : i32 to index
        %get3A_800 = arith.constant 16 : index
        %get3A_801 = tpu.vector_load %arg9[%get3A_799, %get3A_800] {strides = array<i32>} : memref<1280x32xf32, #tpu.memory_space<vmem>>, vector<16xf32>,
        %add3A_802 = arith.constant 16 : i32
        %add3A_803 = vector.broadcast %add3A_802 : i32 to vector<16xi32>
        %add3A_804 = arith.addi %add3A_803, %iota3A : vector<16xi32>
        tpu.vector_store_idx %arg10[%broadcast_in_dim3A_788, %add3A_804, %add3A_792], %get3A_801 : memref<20x32x65xf32, #tpu.memory_space<vmem>>[vector<16xi32>, vector<16xi32>, vector<16xi32>], vector<16xf32>,
        %mul3A_805 = arith.constant 20 : i32
        %mul3A_806 = arith.muli %scan3A_454, %mul3A_805 : i32
        %add3A_807 = arith.constant 16 : i32
        %add3A_808 = arith.addi %mul3A_806, %add3A_807 : i32
        %broadcast_in_dim3A_809 = arith.constant 16 : i32
        %broadcast_in_dim3A_810 = vector.broadcast %broadcast_in_dim3A_809 : i32 to vector<16xi32>
        %broadcast_in_dim3A_811 = arith.constant 0 : i32
        %broadcast_in_dim3A_812 = vector.broadcast %broadcast_in_dim3A_811 : i32 to vector<16xi32>
        %add3A_813 = vector.broadcast %scan3A_454 : i32 to vector<16xi32>
        %add3A_814 = arith.addi %broadcast_in_dim3A_812, %add3A_813 : vector<16xi32>
        %get3A_815 = arith.index_cast %add3A_808 : i32 to index
        %get3A_816 = arith.constant 0 : index
        %get3A_817 = tpu.vector_load %arg9[%get3A_815, %get3A_816] {strides = array<i32>} : memref<1280x32xf32, #tpu.memory_space<vmem>>, vector<16xf32>,
        %add3A_818 = arith.constant 0 : i32
        %add3A_819 = vector.broadcast %add3A_818 : i32 to vector<16xi32>
        %add3A_820 = arith.addi %add3A_819, %iota3A : vector<16xi32>
        tpu.vector_store_idx %arg10[%broadcast_in_dim3A_810, %add3A_820, %add3A_814], %get3A_817 : memref<20x32x65xf32, #tpu.memory_space<vmem>>[vector<16xi32>, vector<16xi32>, vector<16xi32>], vector<16xf32>,
        %get3A_821 = arith.index_cast %add3A_808 : i32 to index
        %get3A_822 = arith.constant 16 : index
        %get3A_823 = tpu.vector_load %arg9[%get3A_821, %get3A_822] {strides = array<i32>} : memref<1280x32xf32, #tpu.memory_space<vmem>>, vector<16xf32>,
        %add3A_824 = arith.constant 16 : i32
        %add3A_825 = vector.broadcast %add3A_824 : i32 to vector<16xi32>
        %add3A_826 = arith.addi %add3A_825, %iota3A : vector<16xi32>
        tpu.vector_store_idx %arg10[%broadcast_in_dim3A_810, %add3A_826, %add3A_814], %get3A_823 : memref<20x32x65xf32, #tpu.memory_space<vmem>>[vector<16xi32>, vector<16xi32>, vector<16xi32>], vector<16xf32>,
        %mul3A_827 = arith.constant 20 : i32
        %mul3A_828 = arith.muli %scan3A_454, %mul3A_827 : i32
        %add3A_829 = arith.constant 17 : i32
        %add3A_830 = arith.addi %mul3A_828, %add3A_829 : i32
        %broadcast_in_dim3A_831 = arith.constant 17 : i32
        %broadcast_in_dim3A_832 = vector.broadcast %broadcast_in_dim3A_831 : i32 to vector<16xi32>
        %broadcast_in_dim3A_833 = arith.constant 0 : i32
        %broadcast_in_dim3A_834 = vector.broadcast %broadcast_in_dim3A_833 : i32 to vector<16xi32>
        %add3A_835 = vector.broadcast %scan3A_454 : i32 to vector<16xi32>
        %add3A_836 = arith.addi %broadcast_in_dim3A_834, %add3A_835 : vector<16xi32>
        %get3A_837 = arith.index_cast %add3A_830 : i32 to index
        %get3A_838 = arith.constant 0 : index
        %get3A_839 = tpu.vector_load %arg9[%get3A_837, %get3A_838] {strides = array<i32>} : memref<1280x32xf32, #tpu.memory_space<vmem>>, vector<16xf32>,
        %add3A_840 = arith.constant 0 : i32
        %add3A_841 = vector.broadcast %add3A_840 : i32 to vector<16xi32>
        %add3A_842 = arith.addi %add3A_841, %iota3A : vector<16xi32>
        tpu.vector_store_idx %arg10[%broadcast_in_dim3A_832, %add3A_842, %add3A_836], %get3A_839 : memref<20x32x65xf32, #tpu.memory_space<vmem>>[vector<16xi32>, vector<16xi32>, vector<16xi32>], vector<16xf32>,
        %get3A_843 = arith.index_cast %add3A_830 : i32 to index
        %get3A_844 = arith.constant 16 : index
        %get3A_845 = tpu.vector_load %arg9[%get3A_843, %get3A_844] {strides = array<i32>} : memref<1280x32xf32, #tpu.memory_space<vmem>>, vector<16xf32>,
        %add3A_846 = arith.constant 16 : i32
        %add3A_847 = vector.broadcast %add3A_846 : i32 to vector<16xi32>
        %add3A_848 = arith.addi %add3A_847, %iota3A : vector<16xi32>
        tpu.vector_store_idx %arg10[%broadcast_in_dim3A_832, %add3A_848, %add3A_836], %get3A_845 : memref<20x32x65xf32, #tpu.memory_space<vmem>>[vector<16xi32>, vector<16xi32>, vector<16xi32>], vector<16xf32>,
        %mul3A_849 = arith.constant 20 : i32
        %mul3A_850 = arith.muli %scan3A_454, %mul3A_849 : i32
        %add3A_851 = arith.constant 18 : i32
        %add3A_852 = arith.addi %mul3A_850, %add3A_851 : i32
        %broadcast_in_dim3A_853 = arith.constant 18 : i32
        %broadcast_in_dim3A_854 = vector.broadcast %broadcast_in_dim3A_853 : i32 to vector<16xi32>
        %broadcast_in_dim3A_855 = arith.constant 0 : i32
        %broadcast_in_dim3A_856 = vector.broadcast %broadcast_in_dim3A_855 : i32 to vector<16xi32>
        %add3A_857 = vector.broadcast %scan3A_454 : i32 to vector<16xi32>
        %add3A_858 = arith.addi %broadcast_in_dim3A_856, %add3A_857 : vector<16xi32>
        %get3A_859 = arith.index_cast %add3A_852 : i32 to index
        %get3A_860 = arith.constant 0 : index
        %get3A_861 = tpu.vector_load %arg9[%get3A_859, %get3A_860] {strides = array<i32>} : memref<1280x32xf32, #tpu.memory_space<vmem>>, vector<16xf32>,
        %add3A_862 = arith.constant 0 : i32
        %add3A_863 = vector.broadcast %add3A_862 : i32 to vector<16xi32>
        %add3A_864 = arith.addi %add3A_863, %iota3A : vector<16xi32>
        tpu.vector_store_idx %arg10[%broadcast_in_dim3A_854, %add3A_864, %add3A_858], %get3A_861 : memref<20x32x65xf32, #tpu.memory_space<vmem>>[vector<16xi32>, vector<16xi32>, vector<16xi32>], vector<16xf32>,
        %get3A_865 = arith.index_cast %add3A_852 : i32 to index
        %get3A_866 = arith.constant 16 : index
        %get3A_867 = tpu.vector_load %arg9[%get3A_865, %get3A_866] {strides = array<i32>} : memref<1280x32xf32, #tpu.memory_space<vmem>>, vector<16xf32>,
        %add3A_868 = arith.constant 16 : i32
        %add3A_869 = vector.broadcast %add3A_868 : i32 to vector<16xi32>
        %add3A_870 = arith.addi %add3A_869, %iota3A : vector<16xi32>
        tpu.vector_store_idx %arg10[%broadcast_in_dim3A_854, %add3A_870, %add3A_858], %get3A_867 : memref<20x32x65xf32, #tpu.memory_space<vmem>>[vector<16xi32>, vector<16xi32>, vector<16xi32>], vector<16xf32>,
        %mul3A_871 = arith.constant 20 : i32
        %mul3A_872 = arith.muli %scan3A_454, %mul3A_871 : i32
        %add3A_873 = arith.constant 19 : i32
        %add3A_874 = arith.addi %mul3A_872, %add3A_873 : i32
        %broadcast_in_dim3A_875 = arith.constant 19 : i32
        %broadcast_in_dim3A_876 = vector.broadcast %broadcast_in_dim3A_875 : i32 to vector<16xi32>
        %broadcast_in_dim3A_877 = arith.constant 0 : i32
        %broadcast_in_dim3A_878 = vector.broadcast %broadcast_in_dim3A_877 : i32 to vector<16xi32>
        %add3A_879 = vector.broadcast %scan3A_454 : i32 to vector<16xi32>
        %add3A_880 = arith.addi %broadcast_in_dim3A_878, %add3A_879 : vector<16xi32>
        %get3A_881 = arith.index_cast %add3A_874 : i32 to index
        %get3A_882 = arith.constant 0 : index
        %get3A_883 = tpu.vector_load %arg9[%get3A_881, %get3A_882] {strides = array<i32>} : memref<1280x32xf32, #tpu.memory_space<vmem>>, vector<16xf32>,
        %add3A_884 = arith.constant 0 : i32
        %add3A_885 = vector.broadcast %add3A_884 : i32 to vector<16xi32>
        %add3A_886 = arith.addi %add3A_885, %iota3A : vector<16xi32>
        tpu.vector_store_idx %arg10[%broadcast_in_dim3A_876, %add3A_886, %add3A_880], %get3A_883 : memref<20x32x65xf32, #tpu.memory_space<vmem>>[vector<16xi32>, vector<16xi32>, vector<16xi32>], vector<16xf32>,
        %get3A_887 = arith.index_cast %add3A_874 : i32 to index
        %get3A_888 = arith.constant 16 : index
        %get3A_889 = tpu.vector_load %arg9[%get3A_887, %get3A_888] {strides = array<i32>} : memref<1280x32xf32, #tpu.memory_space<vmem>>, vector<16xf32>,
        %add3A_890 = arith.constant 16 : i32
        %add3A_891 = vector.broadcast %add3A_890 : i32 to vector<16xi32>
        %add3A_892 = arith.addi %add3A_891, %iota3A : vector<16xi32>
        tpu.vector_store_idx %arg10[%broadcast_in_dim3A_876, %add3A_892, %add3A_880], %get3A_889 : memref<20x32x65xf32, #tpu.memory_space<vmem>>[vector<16xi32>, vector<16xi32>, vector<16xi32>], vector<16xf32>,
      }
      %scan3A_450 = arith.constant 64 : i32
      %mul3A_451 = arith.constant 64 : i32
      %mul3A_452 = arith.muli %scan3A_7, %mul3A_451 : i32
      %add3A_453 = arith.addi %mul3A_2, %mul3A_452 : i32
      "tpu.region"() ({
        %run_scoped3A = tpu.sem_alloc : memref<!tpu.dma_semaphore, #tpu.memory_space<semaphore_mem>>
        %dma_start3A_454 = arith.constant 0 : i32
        %dma_start3A_455 = arith.constant 0 : i32
        %dma_start3A_456 = arith.constant 0 : i32
        %dma_start3A_457 = tpu.memref_slice %arg10[%dma_start3A_454, %dma_start3A_455, %dma_start3A_456] : memref<20x32x65xf32, #tpu.memory_space<vmem>> -> memref<20x32x64xf32, #tpu.memory_space<vmem>>
        %dma_start3A_458 = arith.constant 0 : i32
        %dma_start3A_459 = arith.constant 0 : i32
        %dma_start3A_460 = tpu.memref_slice %arg6[%dma_start3A_458, %dma_start3A_459, %add3A_453] : memref<20x32x16384xf32, #tpu.memory_space<hbm>> -> memref<20x32x64xf32, #tpu.memory_space<hbm>>
        %dma_start3A_461 = arith.constant 0 : i32
        %dma_start3A_462 = arith.constant 0 : i32
        %dma_start3A_463 = tpu.memref_slice %arg6[%dma_start3A_461, %dma_start3A_462, %add3A_453] : memref<20x32x16384xf32, #tpu.memory_space<hbm>> -> memref<20x32x64xf32, #tpu.memory_space<hbm>>
        %dma_start3A_464 = arith.constant 0 : i32
        %dma_start3A_465 = arith.constant 0 : i32
        %dma_start3A_466 = arith.constant 0 : i32
        %dma_start3A_467 = tpu.memref_slice %arg10[%dma_start3A_464, %dma_start3A_465, %dma_start3A_466] : memref<20x32x65xf32, #tpu.memory_space<vmem>> -> memref<20x32x64xf32, #tpu.memory_space<vmem>>
        tpu.enqueue_dma source(%dma_start3A_467 : memref<20x32x64xf32, #tpu.memory_space<vmem>>) target(%dma_start3A_463 : memref<20x32x64xf32, #tpu.memory_space<hbm>>) target_semaphore(%run_scoped3A : memref<!tpu.dma_semaphore, #tpu.memory_space<semaphore_mem>>)
        %dma_wait3A_468 = arith.constant 0 : i32
        %dma_wait3A_469 = arith.constant 0 : i32
        %dma_wait3A_470 = arith.constant 0 : i32
        %dma_wait3A_471 = tpu.memref_slice %arg10[%dma_wait3A_468, %dma_wait3A_469, %dma_wait3A_470] : memref<20x32x65xf32, #tpu.memory_space<vmem>> -> memref<20x32x64xf32, #tpu.memory_space<vmem>>
        %dma_wait3A_472 = arith.constant 0 : i32
        %dma_wait3A_473 = arith.constant 0 : i32
        %dma_wait3A_474 = tpu.memref_slice %arg6[%dma_wait3A_472, %dma_wait3A_473, %add3A_453] : memref<20x32x16384xf32, #tpu.memory_space<hbm>> -> memref<20x32x64xf32, #tpu.memory_space<hbm>>
        %dma_wait3A_475 = arith.constant 0 : i32
        %dma_wait3A_476 = arith.constant 0 : i32
        %dma_wait3A_477 = tpu.memref_slice %arg6[%dma_wait3A_475, %dma_wait3A_476, %add3A_453] : memref<20x32x16384xf32, #tpu.memory_space<hbm>> -> memref<20x32x64xf32, #tpu.memory_space<hbm>>
        %dma_wait3A_478 = arith.constant 0 : i32
        %dma_wait3A_479 = arith.constant 0 : i32
        %dma_wait3A_480 = arith.constant 0 : i32
        %dma_wait3A_481 = tpu.memref_slice %arg10[%dma_wait3A_478, %dma_wait3A_479, %dma_wait3A_480] : memref<20x32x65xf32, #tpu.memory_space<vmem>> -> memref<20x32x64xf32, #tpu.memory_space<vmem>>
        tpu.wait_dma2 semaphore(%run_scoped3A : memref<!tpu.dma_semaphore, #tpu.memory_space<semaphore_mem>>) src(%dma_wait3A_481 : memref<20x32x64xf32, #tpu.memory_space<vmem>>) dst(%dma_wait3A_477 : memref<20x32x64xf32, #tpu.memory_space<hbm>>)
        tpu.yield
      }) : () -> ()
    }
    %scan3A_6 = arith.constant 8 : i32
    return
  }
}

</mosaic_0001>

<sc_bundles>
// kernel: kernel.3.cloned.1.call-start
scs
__scs_entry_jumppad:
0x0: {  	(pc) =	sbr.rel $0x88, $3  }
0x1: {  	(tag) =	ssettag $0x0;
	lr =	simm.s32 $0x1  }
0x2: {  	[smem:$0x3F9D] =	sst lr;
	_ =	strace $0xD0000000  }
0x3: {  	_ = 	snop  }
0x4: {  	_ = 	snop  }
0x5: {  	_ = 	snop  }
0x6: {  	_ = 	snop  }
0x7: {  	_ = 	snop  }
__scs_overlays_trampoline_lowered:
0x8: {  	[smem:$0x3FAC] =	sst s0  }
0x9: {  	[smem:$0x3FAD] =	sst s1  }
0xa: {  	[smem:$0x3FAE] =	sst s2  }
0xb: {  	[smem:$0x3FAF] =	sst s3  }
0xc: {  	[smem:$0x3FB0] =	sst s4  }
0xd: {  	[smem:$0x3FB1] =	sst s5  }
0xe: {  	[smem:$0x3FB2] =	sst s6  }
0xf: {  	[smem:$0x3FB3] =	sst s7  }
0x10: {  	[smem:$0x3FB4] =	sst s8  }
0x11: {  	[smem:$0x3FB5] =	sst s9;
	s0 =	simm.s32 @!p0 $0x0  }
0x12: {  	s1 =	sld [smem:$0x3F9B];
	s0 =	simm.s32 @p0 $0x1  }
0x13: {  	[smem:$0x3FB6] =	sst s0;
	s0 =	simm.s32 @!p1 $0x0  }
0x14: {  	s2 =	sld [smem:$0x3F9A];
	s0 =	simm.s32 @p1 $0x1  }
0x15: {  	[smem:$0x3FB7] =	sst s0;
	s0 =	simm.s32 @!p2 $0x0  }
0x16: {  	s3 =	sld [smem:$0x3FDB];
	s0 =	simm.s32 @p2 $0x1  }
0x17: {  	s4 =	simm.s32 $0x1BF5;
	[smem:$0x3FB9] =	sst s0  }
0x18: {  	s0 =	sld [smem:$0x3F9C];
	_ =	swait.ge [sflag:s4], $0x0  }
0x19: {  	s7 =	sld [smem:$0x3F9D]  }
0x1a: {  	s8 =	sadd.s32 $0xFFFFE003, lr  }
0x1b: {  	s9 =	sadd.s32 $0xFFFFFEF7, lr;
	s5 =	simm.s32 $0xFFFFFFFF;
	p2 =	slt.u32 s8, $0xFFFFF086  }
0x1c: {  	p1 =	slt.u32 s9, $0xF7A;
	s5 =	simm.s32 @!p2 $0x0  }
0x1d: {  	s5 =	simm.s32 @p1 $0x1;
	p0 =	seq.s32 s7, s2  }
0x1e: {  	s7 =	smul.u32 @!p0 $0xF7A, s2;
	p2 =	seq.s32 @!p0 s5, $0x0  }
0x1f: {  	s9 =	smul.u32 $0xF7A, s1;
	s8 =	simm.s32 @!p0 $0x1BF5;
	p2 =	por !p2, p0  }
0x20: {  	[sflag:s8] =	ssyncset.s32 @!p0 $0xFFFFF086;
	s6 =	sadd.s32 @!p0 s3, s7;
	s7 =	simm.s32 @!p0 $0x108  }
0x21: {  	s3 =	sadd.s32 s3, s9;
	s6 =	sadd.s32 @!p0 $0x88, s6;
	s7 =	simm.s32 @p2 $0x1082  }
0x22: {  	[simem:s7], [sflag:s8] =	dma.local @!p0 [hbm:s6], $0xF7A  }
0x23: {  	s9 =	sor.u32 $0xD0000000, s2;
	s6 =	simm.s32 $0x108;
	_ =	swait.ge @!p0 [sflag:s8], $0x0  }
0x24: {  	s3 =	sadd.s32 $0x88, s3;
	s6 =	simm.s32 @!p1 $0x1082;
	[sflag:s4] =	ssyncset.s32 $0xFFFFF086  }
0x25: {  	[simem:s6], [sflag:s4] =	dma.local [hbm:s3], $0xF7A  }
0x26: {  	[smem:$0x3F9D] =	sst s1;
	(tag) =	ssettag s2;
	_ =	strace s9  }
0x27: {  	s1 =	sld [smem:$0x3FAD]  }
0x28: {  	s2 =	sld [smem:$0x3FAE]  }
0x29: {  	s4 =	sld [smem:$0x3FB0]  }
0x2a: {  	p0 =	seq.s32 s5, $0x0;
	s5 =	sld [smem:$0x3FB1]  }
0x2b: {  	s6 =	sld [smem:$0x3FB2]  }
0x2c: {  	s7 =	sld [smem:$0x3FB3]  }
0x2d: {  	s3 =	simm.s32 $0x108;
	s8 =	sld [smem:$0x3FB4]  }
0x2e: {  	s3 =	simm.s32 @!p0 $0x1082;
	s9 =	sld [smem:$0x3FB5]  }
0x2f: {  	lr =	sadd.s32 s0, s3;
	s0 =	sld [smem:$0x3FAC]  }
0x30: {  	s3 =	sld [smem:$0x3FAF]  }
0x31: {  	[smem:$0x3FB8] =	sst s10  }
0x32: {  	s10 =	sld [smem:$0x3FB6];
	_ =	sdelay $0x3  }
0x33: {  	p0 =	seq.s32 s10, $0x1;
	s10 =	sld [smem:$0x3FB8];
	_ =	sdelay $0x3  }
0x34: {  	[smem:$0x3FB8] =	sst s10  }
0x35: {  	s10 =	sld [smem:$0x3FB7];
	_ =	sdelay $0x3  }
0x36: {  	p1 =	seq.s32 s10, $0x1;
	s10 =	sld [smem:$0x3FB8];
	_ =	sdelay $0x3  }
0x37: {  	[smem:$0x3FB8] =	sst s10  }
0x38: {  	s10 =	sld [smem:$0x3FB9]  }
0x39: {  	_ = 	snop;
	(pc) =	sbr.ind lr, $3  }
0x3a: {  	_ = 	snop  }
0x3b: {  	_ = 	snop  }
0x3c: {  	p2 =	seq.s32 s10, $0x1;
	s10 =	sld [smem:$0x3FB8]  }
0x3d: {  	_ =	shalt  }
0x3e: {  	_ =	shalt  }
0x3f: {  	_ =	shalt  }
0x40: {  	_ =	shalt  }
0x41: {  	_ =	shalt  }
0x42: {  	_ =	shalt  }
0x43: {  	_ =	shalt  }
0x44: {  	_ =	shalt  }
0x45: {  	_ =	shalt  }
0x46: {  	_ =	shalt  }
0x47: {  	_ =	shalt  }
0x48: {  	_ =	shalt  }
0x49: {  	_ =	shalt  }
0x4a: {  	_ =	shalt  }
0x4b: {  	_ =	shalt  }
0x4c: {  	_ =	shalt  }
0x4d: {  	_ =	shalt  }
0x4e: {  	_ =	shalt  }
0x4f: {  	_ =	shalt  }
0x50: {  	_ =	shalt  }
0x51: {  	_ =	shalt  }
0x52: {  	_ =	shalt  }
0x53: {  	_ =	shalt  }
0x54: {  	_ =	shalt  }
0x55: {  	_ =	shalt  }
0x56: {  	_ =	shalt  }
0x57: {  	_ =	shalt  }
0x58: {  	_ =	shalt  }
0x59: {  	_ =	shalt  }
0x5a: {  	_ =	shalt  }
0x5b: {  	_ =	shalt  }
0x5c: {  	_ =	shalt  }
0x5d: {  	_ =	shalt  }
0x5e: {  	_ =	shalt  }
0x5f: {  	_ =	shalt  }
0x60: {  	_ =	shalt  }
0x61: {  	_ =	shalt  }
0x62: {  	_ =	shalt  }
0x63: {  	_ =	shalt  }
0x64: {  	_ =	shalt  }
0x65: {  	_ =	shalt  }
0x66: {  	_ =	shalt  }
0x67: {  	_ =	shalt  }
0x68: {  	_ =	shalt  }
0x69: {  	_ =	shalt  }
0x6a: {  	_ =	shalt  }
0x6b: {  	_ =	shalt  }
0x6c: {  	_ =	shalt  }
0x6d: {  	_ =	shalt  }
0x6e: {  	_ =	shalt  }
0x6f: {  	_ =	shalt  }
0x70: {  	_ =	shalt  }
0x71: {  	_ =	shalt  }
0x72: {  	_ =	shalt  }
0x73: {  	_ =	shalt  }
0x74: {  	_ =	shalt  }
0x75: {  	_ =	shalt  }
0x76: {  	_ =	shalt  }
0x77: {  	_ =	shalt  }
0x78: {  	_ =	shalt  }
0x79: {  	_ =	shalt  }
0x7a: {  	_ =	shalt  }
0x7b: {  	_ =	shalt  }
0x7c: {  	_ =	shalt  }
0x7d: {  	_ =	shalt  }
0x7e: {  	_ =	shalt  }
0x7f: {  	_ =	shalt  }
0x80: {  	_ =	shalt  }
0x81: {  	_ =	shalt  }
0x82: {  	_ =	shalt  }
0x83: {  	_ =	shalt  }
0x84: {  	_ =	shalt  }
0x85: {  	_ =	shalt  }
0x86: {  	_ =	shalt  }
0x87: {  	_ =	shalt  }
.Lfunc_end0:
.L_simem_size_0:
called_computation_lowered:
.L_overlay_start_0:
0x88: {  	s2 =	sld [smem:$0x3FD9]  }
0x89: {  	s3 =	sld [smem:$0x3FFE];
	_ =	sdelay $0x1  }
0x8a: {  	s1 =	srdreg.scid  }
0x8b: {  	s0 =	sand.u32 $0x1, s1  }
0x8c: {  	s17 =	sshll.u32 s0, $0xA;
	s2 =	sadd.s32 s3, s2  }
0x8d: {  	s2 =	sadd.s32 s2, s17  }
0x8e: {  	[smem:$0x3FC4] =	sst s2  }
0x8f: {  	_ = 	snop  }
0x90: {  	s2 =	sld [smem:$0x3FD0];
	(tm) =	ssettm $0x1  }
0x91: {  	s18 =	sld [smem:$0x3FFB];
	_ =	sdelay $0x3  }
0x92: {  	_ =	strace s18  }
0x93: {  	s3 =	sld [smem:$0x3FFC];
	_ =	sdelay $0x3  }
0x94: {  	_ =	strace s3  }
0x95: {  	s3 =	sld [smem:$0x3FFD];
	_ =	sdelay $0x3  }
0x96: {  	_ =	strace s3  }
0x97: {  	_ =	strace $0x8FFFFFFF  }
0x98: {  	s19 =	sld [smem:$0x3FDB];
	_ =	sdelay $0x1  }
0x99: {  	s4 =	simm.s32 $_scs_section_size  }
0x9a: {  	s5 =	simm.s32 $_size__tile_overlayer_lowered;
	s6 =	simm.s32 $_tile_overlayer_lowered  }
0x9b: {  	s22 =	simm.s32 $0x1BFF;
	s21 =	sshll.u32 s6, $0x1;
	s3 =	sadd.s32 s4, s19  }
0x9c: {  	s7 =	simm.s32 $0x0;
	s20 =	sshll.u32 s5, $0x1;
	s5 =	sadd.s32 s21, s3  }
0x9d: {  	[timem:s7], [sflag:s22] =	dma.local [hbm:s5], s20  }
0x9e: {  	_ =	swait.ge [sflag:s22], s20  }
0x9f: {  	s4 =	ssub.s32 $0x0, s20;
	[sflag:s22] =	ssyncset.done $0x0  }
0xa0: {  	[sflag:s22] =	ssyncadd.s32 s4;
	_ =	sdelay $0x1  }
0xa1: {  	s23 =	simm.s32 $0x1B8B  }
0xa2: {  	_ =	swait.ge [sflag:s23], $0x1  }
0xa3: {  	[sflag:s23] =	ssyncset.done $0x0  }
0xa4: {  	s25 =	simm.s32 $0x1B8E;
	s24 =	sld [smem:$0x3FFE];
	[sflag:s23] =	ssyncadd.s32 $0xFFFFFFFF  }
0xa5: {  	s26 =	simm.s32 $execute0_lowered;
	[smem:$0x3FD2] =	sst s25  }
0xa6: {  	s5 =	sshll.u32 s26, $0x1;
	_ =	strace $0x80000046;
	[dreg:$0x1] =	wrdreg $0xFFFFFFFF  }
0xa7: {  	s28 =	simm.s32 $_size_execute0_lowered;
	s3 =	sadd.s32 s3, s5;
	[dreg:$0x0] =	wrdreg $0x0  }
0xa8: {  	s5 =	sshll.u32 s28, $0x1;
	[dreg:$0x2] =	wrdreg s3  }
0xa9: {  	[dreg:$0x3] =	wrdreg s5  }
0xaa: {  	[dreg:$0x4] =	wrdreg $0xC0  }
0xab: {  	_ =	task [dreg:s7], $0x5FFFF  }
0xac: {  	[dreg:$0x1] =	wrdreg $0xFFFFFFFF  }
0xad: {  	[dreg:$0x0] =	wrdreg $0x60  }
0xae: {  	[dreg:$0x2] =	wrdreg s2  }
0xaf: {  	[dreg:$0x3] =	wrdreg s24  }
0xb0: {  	[dreg:$0x4] =	wrdreg $0x9  }
0xb1: {  	_ =	task.clear_ibuf [dreg:s7], $0x5FFFF;
	_ =	strace $0x90000046  }
0xb2: {  	s29 =	simm.s32 $0x9;
	_ =	strace $0x80000048  }
0xb3: {  	_ =	swait.ge [sflag:s29], $0x1  }
0xb4: {  	[sflag:s29] =	ssyncadd.s32 $0xFFFFFFFF  }
0xb5: {  	_ =	strace $0x90000048  }
0xb6: {  	_ =	sfence  }
0xb7: {  	s30 =	sld [smem:$0x0];
	_ =	sdelay $0x2  }
0xb8: {  	s31 =	sshll.u32 s1, $0xD;
	s1 =	sshrl.u32 s1, $0x2  }
0xb9: {  	s3 =	sand.u32 $0x4000, s31;
	s1 =	sadd.s32 s1, s30  }
0xba: {  	s0 =	sor.u32 s3, s0;
	s1 =	sshll.u32 s1, $0x11  }
0xbb: {  	s0 =	sor.u32 s1, s0  }
0xbc: {  	s0 =	sadd.s32 $0x8F2B, s0  }
0xbd: {  	[sflag:s0] =	ssyncadd.remote.s32 $0x1  }
0xbe: {  	_ =	sfence.sel $0xFFFF  }
0xbf: {  	[dreg:$0x0] =	wrdreg $0xFFFFFFFF;
	(pc) =	sbr.abs _section_cstart, $3  }
0xc0: {  	[dreg:$0x1] =	wrdreg $0xFFFFFFFF  }
0xc1: {  	_ =	task.clear_ibuf [dreg:s7], $0x2FFFF;
	_ =	strace $0x9FFFFFFF  }
0xc2: {  	(tm) =	ssettm $0x7FFFFFFF  }
0xc3: {  	_ =	shalt  }
tec
execute0_lowered:
.L_overlay_start_1:
0x0: {  	(tag) =	ssettag $0x1  }
0x1: {  	v0 =	vlaneseq.u32  }
0x2: {  	v0 =	vmul.u32 $0x48, v0  }
0x3: {  	s1 =	srdreg.scid;
	s5 =	rddreg [dreg:$0x0]  }
0x4: {  	s0 =	stileid.u32;
	s6 =	rddreg [dreg:$0x1];
	v1 =	vadd.s32 $0x480, v0;
	v2 =	vadd.s32 $0x900, v0;
	v3 =	vadd.s32 $0xD80, v0  }
0x5: {  	s2 =	simm.s32 $0x0;
	s11 =	simm.s32 $0x80;
	s12 =	simm.s32 $0x5000;
	v4 =	vadd.s32 $0x1200, v0;
	v5 =	vadd.s32 $0x1680, v0;
	v6 =	vadd.s32 $0x1B00, v0  }
0x6: {  	s13 =	simm.s32 $0x6000;
	s14 =	simm.s32 $0x7000;
	s15 =	simm.s32 $0x8000;
	v7 =	vadd.s32 $0x1F80, v0;
	v8 =	vadd.s32 $0x2400, v0;
	v9 =	vadd.s32 $0x2880, v0  }
0x7: {  	s16 =	simm.s32 $0x9000;
	s17 =	simm.s32 $0xA000;
	s18 =	simm.s32 $0xB000;
	v10 =	vadd.s32 $0x2D00, v0;
	v11 =	vadd.s32 $0x3180, v0;
	v12 =	vadd.s32 $0x3600, v0  }
0x8: {  	s19 =	simm.s32 $0xC000;
	s20 =	simm.s32 $0xD000;
	s21 =	simm.s32 $0xE000;
	v13 =	vadd.s32 $0x3A80, v0;
	v14 =	vadd.s32 $0x3F00, v0;
	v15 =	vadd.s32 $0x4380, v0  }
0x9: {  	s22 =	simm.s32 $0x1;
	s23 =	simm.s32 $0xF000;
	s24 =	simm.s32 $0x0;
	v16 =	vor.u32 $0x4800, v0;
	v17 =	vadd.s32 $0x4C80, v0;
	v18 =	vadd.s32 $0x5100, v0  }
0xa: {  	s4 =	sand.u32 $0x1, s1;
	s30 =	sshll.u32 s0, $0x1;
	s1 =	rddreg [dreg:$0x2];
	v19 =	vadd.s32 $0x5580, v0;
	v20 =	vadd.s32 $0x5A00, v0;
	v21 =	vadd.s32 $0x5E80, v0  }
0xb: {  	[smem:$0x7FF] =	sst s2;
	s3 =	sadd.s32 $0x1313600, s6;
	s7 =	sor.u32 s4, s30;
	v22 =	vadd.s32 $0x6300, v0;
	v23 =	vadd.s32 $0x6780, v0;
	v24 =	vadd.s32 $0x6C00, v0  }
0xc: {  	_ =	strace $0x80000047;
	s10 =	ssub.s32 $0x2, s4;
	s8 =	smul.u32 $0x500, s7;
	v25 =	vadd.s32 $0x7080, v0;
	v26 =	vadd.s32 $0x7500, v0;
	v27 =	vadd.s32 $0x7980, v0  }
0xd: {  	s4 =	sadd.s32 $0xF42C00, s6;
	s7 =	sshll.u32 s7, $0x6;
	s31 =	sshrl.u32 s10, $0x1;
	v28 =	vadd.s32 $0x7E00, v0;
	v29 =	vadd.s32 $0x8280, v0;
	v30 =	vadd.s32 $0x8700, v0  }
0xe: {  	v31 =	vadd.s32 $0x8B80, v0;
	v32 =	vor.u32 $0x9000, v0;
	v33 =	vadd.s32 $0x9480, v0;
	s7 =	sadd.s32 s7, s6;
	s10 =	ssub.s32 s10, s31;
	s9 =	sadd.s32 s8, s6  }
0xf: {  	v34 =	vadd.s32 $0x9900, v0;
	v35 =	vadd.s32 $0x9D80, v0;
	v36 =	vadd.s32 $0xA200, v0;
	s5 =	sadd.s32 s5, s8;
	s7 =	sadd.s32 $0xA800, s7;
	s8 =	smax.u32 s10, $0x1  }
0x10: {  	v37 =	vadd.s32 $0xA680, v0;
	v38 =	vadd.s32 $0xAB00, v0;
	v39 =	vadd.s32 $0xAF80, v0;
	s10 =	simm.s32 $0x2800;
	s6 =	sadd.s32 $0x800, s9;
	s9 =	simm.s32 $0x2  }
.LBB2_1:
0x11: {  	[tilespmem:s2], [sflag:$0x2] =	stream.linear.gather [hbm4b:s5+s2], $0x2800, $0x38;
	[tilespmem:$0x1A400] =	vst v63  }
0x12: {  	_ =	swait.ge [sflag:s9], $0x2800  }
0x13: {  	[sflag:s9] =	ssyncset.done $0x0  }
0x14: {  	[sflag:s9] =	ssyncadd.s32 $0xFFFFD800  }
0x15: {  	[tilespmem:s10], [sflag:$0x2] =	stream.linear.gather [hbm4b:s6+s2], $0x2800, $0x38;
	[tilespmem:$0x1A400] =	vst v63  }
0x16: {  	_ =	swait.ge [sflag:s9], $0x2800  }
0x17: {  	[sflag:s9] =	ssyncset.done $0x0  }
0x18: {  	s25 =	simm.s32 $0x0;
	[sflag:s9] =	ssyncadd.s32 $0xFFFFD800  }
.LBB2_2:
0x19: {  	s26 =	smul.u32 $0x500, s25;
	_ =	sdelay $0x1  }
0x1a: {  	[tilespmem:s12], [sflag:$0x1] =	stream.indirect.gather [hbm4b:s3+s11], $0x20, s26, s11, $0xb8;
	[tilespmem:$0x1A400] =	vst v63  }
0x1b: {  	s28 =	sor.u32 $0x80, s26  }
0x1c: {  	[tilespmem:s13], [sflag:$0x1] =	stream.indirect.gather [hbm4b:s3+s11], $0x20, s28, s11, $0xb8;
	[tilespmem:$0x1A400] =	vst v63  }
0x1d: {  	s28 =	sadd.s32 $0x100, s26  }
0x1e: {  	[tilespmem:s14], [sflag:$0x1] =	stream.indirect.gather [hbm4b:s3+s11], $0x20, s28, s11, $0xb8;
	[tilespmem:$0x1A400] =	vst v63  }
0x1f: {  	s28 =	sadd.s32 $0x180, s26  }
0x20: {  	[tilespmem:s15], [sflag:$0x1] =	stream.indirect.gather [hbm4b:s3+s11], $0x20, s28, s11, $0xb8;
	[tilespmem:$0x1A400] =	vst v63  }
0x21: {  	s28 =	sadd.s32 $0x200, s26  }
0x22: {  	[tilespmem:s16], [sflag:$0x1] =	stream.indirect.gather [hbm4b:s3+s11], $0x20, s28, s11, $0xb8;
	[tilespmem:$0x1A400] =	vst v63  }
0x23: {  	s28 =	sadd.s32 $0x280, s26  }
0x24: {  	[tilespmem:s17], [sflag:$0x1] =	stream.indirect.gather [hbm4b:s3+s11], $0x20, s28, s11, $0xb8;
	[tilespmem:$0x1A400] =	vst v63  }
0x25: {  	s28 =	sadd.s32 $0x300, s26  }
0x26: {  	[tilespmem:s18], [sflag:$0x1] =	stream.indirect.gather [hbm4b:s3+s11], $0x20, s28, s11, $0xb8;
	[tilespmem:$0x1A400] =	vst v63  }
0x27: {  	s28 =	sadd.s32 $0x380, s26  }
0x28: {  	[tilespmem:s19], [sflag:$0x1] =	stream.indirect.gather [hbm4b:s3+s11], $0x20, s28, s11, $0xb8;
	[tilespmem:$0x1A400] =	vst v63  }
0x29: {  	s28 =	sadd.s32 $0x400, s26  }
0x2a: {  	[tilespmem:s20], [sflag:$0x1] =	stream.indirect.gather [hbm4b:s3+s11], $0x20, s28, s11, $0xb8;
	[tilespmem:$0x1A400] =	vst v63  }
0x2b: {  	s28 =	sadd.s32 $0x480, s26  }
0x2c: {  	[tilespmem:s21], [sflag:$0x1] =	stream.indirect.gather [hbm4b:s3+s11], $0x20, s28, s11, $0xb8;
	[tilespmem:$0x1A400] =	vst v63  }
0x2d: {  	_ =	swait.ge [sflag:s22], $0x1000  }
0x2e: {  	[sflag:s22] =	ssyncset.done $0x0  }
0x2f: {  	[sflag:s22] =	ssyncadd.s32 $0xFFFFF000  }
0x30: {  	_ =	swait.ge [sflag:s22], $0x1000  }
0x31: {  	[sflag:s22] =	ssyncset.done $0x0  }
0x32: {  	[sflag:s22] =	ssyncadd.s32 $0xFFFFF000  }
0x33: {  	_ =	swait.ge [sflag:s22], $0x1000  }
0x34: {  	[sflag:s22] =	ssyncset.done $0x0  }
0x35: {  	[sflag:s22] =	ssyncadd.s32 $0xFFFFF000  }
0x36: {  	_ =	swait.ge [sflag:s22], $0x1000  }
0x37: {  	[sflag:s22] =	ssyncset.done $0x0  }
0x38: {  	[sflag:s22] =	ssyncadd.s32 $0xFFFFF000  }
0x39: {  	_ =	swait.ge [sflag:s22], $0x1000  }
0x3a: {  	[sflag:s22] =	ssyncset.done $0x0  }
0x3b: {  	[sflag:s22] =	ssyncadd.s32 $0xFFFFF000  }
0x3c: {  	_ =	swait.ge [sflag:s22], $0x1000  }
0x3d: {  	[sflag:s22] =	ssyncset.done $0x0  }
0x3e: {  	[sflag:s22] =	ssyncadd.s32 $0xFFFFF000  }
0x3f: {  	_ =	swait.ge [sflag:s22], $0x1000  }
0x40: {  	[sflag:s22] =	ssyncset.done $0x0  }
0x41: {  	[sflag:s22] =	ssyncadd.s32 $0xFFFFF000  }
0x42: {  	_ =	swait.ge [sflag:s22], $0x1000  }
0x43: {  	[sflag:s22] =	ssyncset.done $0x0  }
0x44: {  	[sflag:s22] =	ssyncadd.s32 $0xFFFFF000  }
0x45: {  	_ =	swait.ge [sflag:s22], $0x1000  }
0x46: {  	[sflag:s22] =	ssyncset.done $0x0  }
0x47: {  	[sflag:s22] =	ssyncadd.s32 $0xFFFFF000  }
0x48: {  	_ =	swait.ge [sflag:s22], $0x1000  }
0x49: {  	[sflag:s22] =	ssyncset.done $0x0  }
0x4a: {  	s28 =	sadd.s32 $0x2800, s26;
	[sflag:s22] =	ssyncadd.s32 $0xFFFFF000  }
0x4b: {  	[tilespmem:s12], [sflag:$0x1] =	stream.indirect.gather.add.f32 [hbm:s4], $0x20, s28, s11, $0xb8;
	[tilespmem:$0x1A400] =	vst v63  }
0x4c: {  	s28 =	sadd.s32 $0x2880, s26  }
0x4d: {  	[tilespmem:s13], [sflag:$0x1] =	stream.indirect.gather.add.f32 [hbm:s4], $0x20, s28, s11, $0xb8;
	[tilespmem:$0x1A400] =	vst v63  }
0x4e: {  	s28 =	sadd.s32 $0x2900, s26  }
0x4f: {  	[tilespmem:s14], [sflag:$0x1] =	stream.indirect.gather.add.f32 [hbm:s4], $0x20, s28, s11, $0xb8;
	[tilespmem:$0x1A400] =	vst v63  }
0x50: {  	s28 =	sadd.s32 $0x2980, s26  }
0x51: {  	[tilespmem:s15], [sflag:$0x1] =	stream.indirect.gather.add.f32 [hbm:s4], $0x20, s28, s11, $0xb8;
	[tilespmem:$0x1A400] =	vst v63  }
0x52: {  	s28 =	sadd.s32 $0x2A00, s26  }
0x53: {  	[tilespmem:s16], [sflag:$0x1] =	stream.indirect.gather.add.f32 [hbm:s4], $0x20, s28, s11, $0xb8;
	[tilespmem:$0x1A400] =	vst v63  }
0x54: {  	s28 =	sadd.s32 $0x2A80, s26  }
0x55: {  	[tilespmem:s17], [sflag:$0x1] =	stream.indirect.gather.add.f32 [hbm:s4], $0x20, s28, s11, $0xb8;
	[tilespmem:$0x1A400] =	vst v63  }
0x56: {  	s28 =	sadd.s32 $0x2B00, s26  }
0x57: {  	[tilespmem:s18], [sflag:$0x1] =	stream.indirect.gather.add.f32 [hbm:s4], $0x20, s28, s11, $0xb8;
	[tilespmem:$0x1A400] =	vst v63  }
0x58: {  	s28 =	sadd.s32 $0x2B80, s26  }
0x59: {  	[tilespmem:s19], [sflag:$0x1] =	stream.indirect.gather.add.f32 [hbm:s4], $0x20, s28, s11, $0xb8;
	[tilespmem:$0x1A400] =	vst v63  }
0x5a: {  	s28 =	sadd.s32 $0x2C00, s26  }
0x5b: {  	[tilespmem:s20], [sflag:$0x1] =	stream.indirect.gather.add.f32 [hbm:s4], $0x20, s28, s11, $0xb8;
	[tilespmem:$0x1A400] =	vst v63  }
0x5c: {  	s26 =	sadd.s32 $0x2C80, s26  }
0x5d: {  	[tilespmem:s21], [sflag:$0x1] =	stream.indirect.gather.add.f32 [hbm:s4], $0x20, s26, s11, $0xb8;
	[tilespmem:$0x1A400] =	vst v63  }
0x5e: {  	_ =	swait.ge [sflag:s22], $0x1000  }
0x5f: {  	[sflag:s22] =	ssyncset.done $0x0  }
0x60: {  	[sflag:s22] =	ssyncadd.s32 $0xFFFFF000  }
0x61: {  	_ =	swait.ge [sflag:s22], $0x1000  }
0x62: {  	[sflag:s22] =	ssyncset.done $0x0  }
0x63: {  	[sflag:s22] =	ssyncadd.s32 $0xFFFFF000  }
0x64: {  	_ =	swait.ge [sflag:s22], $0x1000  }
0x65: {  	[sflag:s22] =	ssyncset.done $0x0  }
0x66: {  	[sflag:s22] =	ssyncadd.s32 $0xFFFFF000  }
0x67: {  	_ =	swait.ge [sflag:s22], $0x1000  }
0x68: {  	[sflag:s22] =	ssyncset.done $0x0  }
0x69: {  	[sflag:s22] =	ssyncadd.s32 $0xFFFFF000  }
0x6a: {  	_ =	swait.ge [sflag:s22], $0x1000  }
0x6b: {  	[sflag:s22] =	ssyncset.done $0x0  }
0x6c: {  	[sflag:s22] =	ssyncadd.s32 $0xFFFFF000  }
0x6d: {  	_ =	swait.ge [sflag:s22], $0x1000  }
0x6e: {  	[sflag:s22] =	ssyncset.done $0x0  }
0x6f: {  	[sflag:s22] =	ssyncadd.s32 $0xFFFFF000  }
0x70: {  	_ =	swait.ge [sflag:s22], $0x1000  }
0x71: {  	[sflag:s22] =	ssyncset.done $0x0  }
0x72: {  	[sflag:s22] =	ssyncadd.s32 $0xFFFFF000  }
0x73: {  	_ =	swait.ge [sflag:s22], $0x1000  }
0x74: {  	[sflag:s22] =	ssyncset.done $0x0  }
0x75: {  	[sflag:s22] =	ssyncadd.s32 $0xFFFFF000  }
0x76: {  	_ =	swait.ge [sflag:s22], $0x1000  }
0x77: {  	[sflag:s22] =	ssyncset.done $0x0  }
0x78: {  	[sflag:s22] =	ssyncadd.s32 $0xFFFFF000  }
0x79: {  	s31 =	simm.s32 $0x0;
	_ =	swait.ge [sflag:s22], $0x1000  }
0x7a: {  	v40 =	vmov s31;
	[sflag:s22] =	ssyncset.done $0x0  }
0x7b: {  	v40 =	vand.u32 $0x3F, v40;
	s26 =	simm.s32 $0x5140;
	[sflag:s22] =	ssyncadd.s32 $0xFFFFF000  }
0x7c: {  	v42 =	vadd.s32 v0, v40;
	v41 =	vld [tilespmem:s26+$0xFFFFFEC0];
	_ =	sdelay $0x4  }
0x7d: {  	[tilespmem:v42+s23+$0x0] =	vst.idx.msk $0xffff, v41  }
0x7e: {  	v45 =	vadd.s32 v1, v40;
	v41 =	vld [tilespmem:s26+$0xFFFFFED0];
	_ =	sdelay $0x4  }
0x7f: {  	[tilespmem:v45+s23+$0x0] =	vst.idx.msk $0xffff, v41  }
0x80: {  	v46 =	vadd.s32 v2, v40;
	v41 =	vld [tilespmem:s26+$0xFFFFFEE0];
	_ =	sdelay $0x4  }
0x81: {  	[tilespmem:v46+s23+$0x0] =	vst.idx.msk $0xffff, v41  }
0x82: {  	v47 =	vadd.s32 v3, v40;
	v41 =	vld [tilespmem:s26+$0xFFFFFEF0];
	_ =	sdelay $0x4  }
0x83: {  	[tilespmem:v47+s23+$0x0] =	vst.idx.msk $0xffff, v41  }
0x84: {  	v48 =	vadd.s32 v4, v40;
	v41 =	vld [tilespmem:s26+$0xFFFFFF00];
	_ =	sdelay $0x4  }
0x85: {  	[tilespmem:v48+s23+$0x0] =	vst.idx.msk $0xffff, v41  }
0x86: {  	v49 =	vadd.s32 v5, v40;
	v41 =	vld [tilespmem:s26+$0xFFFFFF10];
	_ =	sdelay $0x4  }
0x87: {  	[tilespmem:v49+s23+$0x0] =	vst.idx.msk $0xffff, v41  }
0x88: {  	v50 =	vadd.s32 v6, v40;
	v41 =	vld [tilespmem:s26+$0xFFFFFF20];
	_ =	sdelay $0x4  }
0x89: {  	[tilespmem:v50+s23+$0x0] =	vst.idx.msk $0xffff, v41  }
0x8a: {  	v51 =	vadd.s32 v7, v40;
	v41 =	vld [tilespmem:s26+$0xFFFFFF30];
	_ =	sdelay $0x4  }
0x8b: {  	[tilespmem:v51+s23+$0x0] =	vst.idx.msk $0xffff, v41  }
0x8c: {  	v52 =	vadd.s32 v8, v40;
	v41 =	vld [tilespmem:s26+$0xFFFFFF40];
	_ =	sdelay $0x4  }
0x8d: {  	[tilespmem:v52+s23+$0x0] =	vst.idx.msk $0xffff, v41  }
0x8e: {  	v53 =	vadd.s32 v9, v40;
	v41 =	vld [tilespmem:s26+$0xFFFFFF50];
	_ =	sdelay $0x4  }
0x8f: {  	[tilespmem:v53+s23+$0x0] =	vst.idx.msk $0xffff, v41  }
0x90: {  	v54 =	vadd.s32 v10, v40;
	v41 =	vld [tilespmem:s26+$0xFFFFFF60];
	_ =	sdelay $0x4  }
0x91: {  	[tilespmem:v54+s23+$0x0] =	vst.idx.msk $0xffff, v41  }
0x92: {  	v55 =	vadd.s32 v11, v40;
	v41 =	vld [tilespmem:s26+$0xFFFFFF70];
	_ =	sdelay $0x4  }
0x93: {  	[tilespmem:v55+s23+$0x0] =	vst.idx.msk $0xffff, v41  }
0x94: {  	v56 =	vadd.s32 v12, v40;
	v41 =	vld [tilespmem:s26+$0xFFFFFF80];
	_ =	sdelay $0x4  }
0x95: {  	[tilespmem:v56+s23+$0x0] =	vst.idx.msk $0xffff, v41  }
0x96: {  	v57 =	vadd.s32 v13, v40;
	v41 =	vld [tilespmem:s26+$0xFFFFFF90];
	_ =	sdelay $0x4  }
0x97: {  	[tilespmem:v57+s23+$0x0] =	vst.idx.msk $0xffff, v41  }
0x98: {  	v58 =	vadd.s32 v14, v40;
	v41 =	vld [tilespmem:s26+$0xFFFFFFA0];
	_ =	sdelay $0x4  }
0x99: {  	[tilespmem:v58+s23+$0x0] =	vst.idx.msk $0xffff, v41  }
0x9a: {  	v59 =	vadd.s32 v15, v40;
	v41 =	vld [tilespmem:s26+$0xFFFFFFB0];
	_ =	sdelay $0x4  }
0x9b: {  	[tilespmem:v59+s23+$0x0] =	vst.idx.msk $0xffff, v41  }
0x9c: {  	v60 =	vadd.s32 v16, v40;
	v41 =	vld [tilespmem:s26+$0xFFFFFFC0];
	_ =	sdelay $0x4  }
0x9d: {  	[tilespmem:v60+s23+$0x0] =	vst.idx.msk $0xffff, v41  }
0x9e: {  	v61 =	vadd.s32 v17, v40;
	v41 =	vld [tilespmem:s26+$0xFFFFFFD0];
	_ =	sdelay $0x4  }
0x9f: {  	[tilespmem:v61+s23+$0x0] =	vst.idx.msk $0xffff, v41  }
0xa0: {  	v62 =	vadd.s32 v18, v40;
	v41 =	vld [tilespmem:s26+$0xFFFFFFE0];
	_ =	sdelay $0x4  }
0xa1: {  	[tilespmem:v62+s23+$0x0] =	vst.idx.msk $0xffff, v41  }
0xa2: {  	v63 =	vadd.s32 v19, v40;
	v41 =	vld [tilespmem:s26+$0xFFFFFFF0];
	_ =	sdelay $0x4  }
0xa3: {  	[tilespmem:v63+s23+$0x0] =	vst.idx.msk $0xffff, v41  }
0xa4: {  	v45 =	vadd.s32 v20, v40;
	v41 =	vld [tilespmem:s26+$0x0];
	_ =	sdelay $0x4  }
0xa5: {  	[tilespmem:v45+s23+$0x0] =	vst.idx.msk $0xffff, v41  }
0xa6: {  	v46 =	vadd.s32 v21, v40;
	v41 =	vld [tilespmem:s26+$0x10];
	_ =	sdelay $0x4  }
0xa7: {  	[tilespmem:v46+s23+$0x0] =	vst.idx.msk $0xffff, v41  }
0xa8: {  	v47 =	vadd.s32 v22, v40;
	v41 =	vld [tilespmem:s26+$0x20];
	_ =	sdelay $0x4  }
0xa9: {  	[tilespmem:v47+s23+$0x0] =	vst.idx.msk $0xffff, v41  }
0xaa: {  	v48 =	vadd.s32 v23, v40;
	v41 =	vld [tilespmem:s26+$0x30];
	_ =	sdelay $0x4  }
0xab: {  	[tilespmem:v48+s23+$0x0] =	vst.idx.msk $0xffff, v41  }
0xac: {  	v49 =	vadd.s32 v24, v40;
	v41 =	vld [tilespmem:s26+$0x40];
	_ =	sdelay $0x4  }
0xad: {  	[tilespmem:v49+s23+$0x0] =	vst.idx.msk $0xffff, v41  }
0xae: {  	v50 =	vadd.s32 v25, v40;
	v41 =	vld [tilespmem:s26+$0x50];
	_ =	sdelay $0x4  }
0xaf: {  	[tilespmem:v50+s23+$0x0] =	vst.idx.msk $0xffff, v41  }
0xb0: {  	v51 =	vadd.s32 v26, v40;
	v41 =	vld [tilespmem:s26+$0x60];
	_ =	sdelay $0x4  }
0xb1: {  	[tilespmem:v51+s23+$0x0] =	vst.idx.msk $0xffff, v41  }
0xb2: {  	v52 =	vadd.s32 v27, v40;
	v41 =	vld [tilespmem:s26+$0x70];
	_ =	sdelay $0x4  }
0xb3: {  	[tilespmem:v52+s23+$0x0] =	vst.idx.msk $0xffff, v41  }
0xb4: {  	v53 =	vadd.s32 v28, v40;
	v41 =	vld [tilespmem:s26+$0x80];
	_ =	sdelay $0x4  }
0xb5: {  	[tilespmem:v53+s23+$0x0] =	vst.idx.msk $0xffff, v41  }
0xb6: {  	v54 =	vadd.s32 v29, v40;
	v41 =	vld [tilespmem:s26+$0x90];
	_ =	sdelay $0x4  }
0xb7: {  	[tilespmem:v54+s23+$0x0] =	vst.idx.msk $0xffff, v41  }
0xb8: {  	v55 =	vadd.s32 v30, v40;
	v41 =	vld [tilespmem:s26+$0xA0];
	_ =	sdelay $0x4  }
0xb9: {  	[tilespmem:v55+s23+$0x0] =	vst.idx.msk $0xffff, v41  }
0xba: {  	v56 =	vadd.s32 v31, v40;
	v41 =	vld [tilespmem:s26+$0xB0];
	_ =	sdelay $0x4  }
0xbb: {  	[tilespmem:v56+s23+$0x0] =	vst.idx.msk $0xffff, v41  }
0xbc: {  	v57 =	vadd.s32 v32, v40;
	v41 =	vld [tilespmem:s26+$0xC0];
	_ =	sdelay $0x4  }
0xbd: {  	[tilespmem:v57+s23+$0x0] =	vst.idx.msk $0xffff, v41  }
0xbe: {  	v58 =	vadd.s32 v33, v40;
	v41 =	vld [tilespmem:s26+$0xD0];
	_ =	sdelay $0x4  }
0xbf: {  	[tilespmem:v58+s23+$0x0] =	vst.idx.msk $0xffff, v41  }
0xc0: {  	v59 =	vadd.s32 v34, v40;
	v41 =	vld [tilespmem:s26+$0xE0];
	_ =	sdelay $0x4  }
0xc1: {  	[tilespmem:v59+s23+$0x0] =	vst.idx.msk $0xffff, v41  }
0xc2: {  	v60 =	vadd.s32 v35, v40;
	v41 =	vld [tilespmem:s26+$0xF0];
	_ =	sdelay $0x4  }
0xc3: {  	[tilespmem:v60+s23+$0x0] =	vst.idx.msk $0xffff, v41  }
0xc4: {  	v61 =	vadd.s32 v36, v40;
	v41 =	vld [tilespmem:s26+$0x100];
	_ =	sdelay $0x4  }
0xc5: {  	[tilespmem:v61+s23+$0x0] =	vst.idx.msk $0xffff, v41  }
0xc6: {  	v62 =	vadd.s32 v37, v40;
	v41 =	vld [tilespmem:s26+$0x110];
	_ =	sdelay $0x4  }
0xc7: {  	[tilespmem:v62+s23+$0x0] =	vst.idx.msk $0xffff, v41  }
0xc8: {  	v63 =	vadd.s32 v38, v40;
	v41 =	vld [tilespmem:s26+$0x120];
	_ =	sdelay $0x4  }
0xc9: {  	[tilespmem:v63+s23+$0x0] =	vst.idx.msk $0xffff, v41  }
0xca: {  	v42 =	vadd.s32 v39, v40;
	v41 =	vld [tilespmem:s26+$0x130];
	_ =	sdelay $0x2  }
0xcb: {  	s28 =	simm.s32 $0x1  }
0xcc: {  	v40 =	vmov s28;
	s28 =	simm.s32 $0x2  }
.LBB2_3:
0xcd: {  	p0 =	sne.s32 s28, $0x3F;
	v40 =	vand.u32 $0x3F, v40;
	[tilespmem:v42+s23+$0x0] =	vst.idx.msk $0xffff, v41;
	s26 =	sadd.s32 $0x280, s26  }
0xce: {  	v41 =	vld [tilespmem:s26+$0xFFFFFEC0];
	v42 =	vadd.s32 v0, v40;
	_ =	sdelay $0x4  }
0xcf: {  	[tilespmem:v42+s23+$0x0] =	vst.idx.msk $0xffff, v41  }
0xd0: {  	v42 =	vadd.s32 v1, v40;
	v41 =	vld [tilespmem:s26+$0xFFFFFED0];
	_ =	sdelay $0x4  }
0xd1: {  	[tilespmem:v42+s23+$0x0] =	vst.idx.msk $0xffff, v41  }
0xd2: {  	v42 =	vadd.s32 v2, v40;
	v41 =	vld [tilespmem:s26+$0xFFFFFEE0];
	_ =	sdelay $0x4  }
0xd3: {  	[tilespmem:v42+s23+$0x0] =	vst.idx.msk $0xffff, v41  }
0xd4: {  	v42 =	vadd.s32 v3, v40;
	v41 =	vld [tilespmem:s26+$0xFFFFFEF0];
	_ =	sdelay $0x4  }
0xd5: {  	[tilespmem:v42+s23+$0x0] =	vst.idx.msk $0xffff, v41  }
0xd6: {  	v42 =	vadd.s32 v4, v40;
	v41 =	vld [tilespmem:s26+$0xFFFFFF00];
	_ =	sdelay $0x4  }
0xd7: {  	[tilespmem:v42+s23+$0x0] =	vst.idx.msk $0xffff, v41  }
0xd8: {  	v42 =	vadd.s32 v5, v40;
	v41 =	vld [tilespmem:s26+$0xFFFFFF10];
	_ =	sdelay $0x4  }
0xd9: {  	[tilespmem:v42+s23+$0x0] =	vst.idx.msk $0xffff, v41  }
0xda: {  	v42 =	vadd.s32 v6, v40;
	v41 =	vld [tilespmem:s26+$0xFFFFFF20];
	_ =	sdelay $0x4  }
0xdb: {  	[tilespmem:v42+s23+$0x0] =	vst.idx.msk $0xffff, v41  }
0xdc: {  	v42 =	vadd.s32 v7, v40;
	v41 =	vld [tilespmem:s26+$0xFFFFFF30];
	_ =	sdelay $0x4  }
0xdd: {  	[tilespmem:v42+s23+$0x0] =	vst.idx.msk $0xffff, v41  }
0xde: {  	v42 =	vadd.s32 v8, v40;
	v41 =	vld [tilespmem:s26+$0xFFFFFF40];
	_ =	sdelay $0x4  }
0xdf: {  	[tilespmem:v42+s23+$0x0] =	vst.idx.msk $0xffff, v41  }
0xe0: {  	v42 =	vadd.s32 v9, v40;
	v41 =	vld [tilespmem:s26+$0xFFFFFF50];
	_ =	sdelay $0x4  }
0xe1: {  	[tilespmem:v42+s23+$0x0] =	vst.idx.msk $0xffff, v41  }
0xe2: {  	v42 =	vadd.s32 v10, v40;
	v41 =	vld [tilespmem:s26+$0xFFFFFF60];
	_ =	sdelay $0x4  }
0xe3: {  	[tilespmem:v42+s23+$0x0] =	vst.idx.msk $0xffff, v41  }
0xe4: {  	v42 =	vadd.s32 v11, v40;
	v41 =	vld [tilespmem:s26+$0xFFFFFF70];
	_ =	sdelay $0x4  }
0xe5: {  	[tilespmem:v42+s23+$0x0] =	vst.idx.msk $0xffff, v41  }
0xe6: {  	v42 =	vadd.s32 v12, v40;
	v41 =	vld [tilespmem:s26+$0xFFFFFF80];
	_ =	sdelay $0x4  }
0xe7: {  	[tilespmem:v42+s23+$0x0] =	vst.idx.msk $0xffff, v41  }
0xe8: {  	v42 =	vadd.s32 v13, v40;
	v41 =	vld [tilespmem:s26+$0xFFFFFF90];
	_ =	sdelay $0x4  }
0xe9: {  	[tilespmem:v42+s23+$0x0] =	vst.idx.msk $0xffff, v41  }
0xea: {  	v42 =	vadd.s32 v14, v40;
	v41 =	vld [tilespmem:s26+$0xFFFFFFA0];
	_ =	sdelay $0x4  }
0xeb: {  	[tilespmem:v42+s23+$0x0] =	vst.idx.msk $0xffff, v41  }
0xec: {  	v42 =	vadd.s32 v15, v40;
	v41 =	vld [tilespmem:s26+$0xFFFFFFB0];
	_ =	sdelay $0x4  }
0xed: {  	[tilespmem:v42+s23+$0x0] =	vst.idx.msk $0xffff, v41  }
0xee: {  	v42 =	vadd.s32 v16, v40;
	v41 =	vld [tilespmem:s26+$0xFFFFFFC0];
	_ =	sdelay $0x4  }
0xef: {  	[tilespmem:v42+s23+$0x0] =	vst.idx.msk $0xffff, v41  }
0xf0: {  	v42 =	vadd.s32 v17, v40;
	v41 =	vld [tilespmem:s26+$0xFFFFFFD0];
	_ =	sdelay $0x4  }
0xf1: {  	[tilespmem:v42+s23+$0x0] =	vst.idx.msk $0xffff, v41  }
0xf2: {  	v42 =	vadd.s32 v18, v40;
	v41 =	vld [tilespmem:s26+$0xFFFFFFE0];
	_ =	sdelay $0x4  }
0xf3: {  	[tilespmem:v42+s23+$0x0] =	vst.idx.msk $0xffff, v41  }
0xf4: {  	v42 =	vadd.s32 v19, v40;
	v41 =	vld [tilespmem:s26+$0xFFFFFFF0];
	_ =	sdelay $0x4  }
0xf5: {  	[tilespmem:v42+s23+$0x0] =	vst.idx.msk $0xffff, v41  }
0xf6: {  	v42 =	vadd.s32 v20, v40;
	v41 =	vld [tilespmem:s26+$0x0];
	_ =	sdelay $0x4  }
0xf7: {  	[tilespmem:v42+s23+$0x0] =	vst.idx.msk $0xffff, v41  }
0xf8: {  	v42 =	vadd.s32 v21, v40;
	v41 =	vld [tilespmem:s26+$0x10];
	_ =	sdelay $0x4  }
0xf9: {  	[tilespmem:v42+s23+$0x0] =	vst.idx.msk $0xffff, v41  }
0xfa: {  	v42 =	vadd.s32 v22, v40;
	v41 =	vld [tilespmem:s26+$0x20];
	_ =	sdelay $0x4  }
0xfb: {  	[tilespmem:v42+s23+$0x0] =	vst.idx.msk $0xffff, v41  }
0xfc: {  	v42 =	vadd.s32 v23, v40;
	v41 =	vld [tilespmem:s26+$0x30];
	_ =	sdelay $0x4  }
0xfd: {  	[tilespmem:v42+s23+$0x0] =	vst.idx.msk $0xffff, v41  }
0xfe: {  	v42 =	vadd.s32 v24, v40;
	v41 =	vld [tilespmem:s26+$0x40];
	_ =	sdelay $0x4  }
0xff: {  	[tilespmem:v42+s23+$0x0] =	vst.idx.msk $0xffff, v41  }
0x100: {  	v42 =	vadd.s32 v25, v40;
	v41 =	vld [tilespmem:s26+$0x50];
	_ =	sdelay $0x4  }
0x101: {  	[tilespmem:v42+s23+$0x0] =	vst.idx.msk $0xffff, v41  }
0x102: {  	v42 =	vadd.s32 v26, v40;
	v41 =	vld [tilespmem:s26+$0x60];
	_ =	sdelay $0x4  }
0x103: {  	[tilespmem:v42+s23+$0x0] =	vst.idx.msk $0xffff, v41  }
0x104: {  	v42 =	vadd.s32 v27, v40;
	v41 =	vld [tilespmem:s26+$0x70];
	_ =	sdelay $0x4  }
0x105: {  	[tilespmem:v42+s23+$0x0] =	vst.idx.msk $0xffff, v41  }
0x106: {  	v42 =	vadd.s32 v28, v40;
	v41 =	vld [tilespmem:s26+$0x80];
	_ =	sdelay $0x4  }
0x107: {  	[tilespmem:v42+s23+$0x0] =	vst.idx.msk $0xffff, v41  }
0x108: {  	v42 =	vadd.s32 v29, v40;
	v41 =	vld [tilespmem:s26+$0x90];
	_ =	sdelay $0x4  }
0x109: {  	[tilespmem:v42+s23+$0x0] =	vst.idx.msk $0xffff, v41  }
0x10a: {  	v42 =	vadd.s32 v30, v40;
	v41 =	vld [tilespmem:s26+$0xA0];
	_ =	sdelay $0x4  }
0x10b: {  	[tilespmem:v42+s23+$0x0] =	vst.idx.msk $0xffff, v41  }
0x10c: {  	v42 =	vadd.s32 v31, v40;
	v41 =	vld [tilespmem:s26+$0xB0];
	_ =	sdelay $0x4  }
0x10d: {  	[tilespmem:v42+s23+$0x0] =	vst.idx.msk $0xffff, v41  }
0x10e: {  	v42 =	vadd.s32 v32, v40;
	v41 =	vld [tilespmem:s26+$0xC0];
	_ =	sdelay $0x4  }
0x10f: {  	[tilespmem:v42+s23+$0x0] =	vst.idx.msk $0xffff, v41  }
0x110: {  	v42 =	vadd.s32 v33, v40;
	v41 =	vld [tilespmem:s26+$0xD0];
	_ =	sdelay $0x4  }
0x111: {  	[tilespmem:v42+s23+$0x0] =	vst.idx.msk $0xffff, v41  }
0x112: {  	v42 =	vadd.s32 v34, v40;
	v41 =	vld [tilespmem:s26+$0xE0];
	_ =	sdelay $0x4  }
0x113: {  	[tilespmem:v42+s23+$0x0] =	vst.idx.msk $0xffff, v41  }
0x114: {  	v42 =	vadd.s32 v35, v40;
	v41 =	vld [tilespmem:s26+$0xF0];
	_ =	sdelay $0x4  }
0x115: {  	[tilespmem:v42+s23+$0x0] =	vst.idx.msk $0xffff, v41  }
0x116: {  	v42 =	vadd.s32 v36, v40;
	v41 =	vld [tilespmem:s26+$0x100];
	_ =	sdelay $0x4  }
0x117: {  	[tilespmem:v42+s23+$0x0] =	vst.idx.msk $0xffff, v41  }
0x118: {  	v42 =	vadd.s32 v37, v40;
	v41 =	vld [tilespmem:s26+$0x110];
	_ =	sdelay $0x4  }
0x119: {  	[tilespmem:v42+s23+$0x0] =	vst.idx.msk $0xffff, v41  }
0x11a: {  	v42 =	vadd.s32 v38, v40;
	v41 =	vld [tilespmem:s26+$0x120];
	_ =	sdelay $0x4  }
0x11b: {  	[tilespmem:v42+s23+$0x0] =	vst.idx.msk $0xffff, v41  }
.Ltmp0:
0x11c: {  	v42 =	vadd.s32 v39, v40;
	v41 =	vld [tilespmem:s26+$0x130];
	(pc) =	sbr.rel @p0 .LBB2_3-.Ltmp0, $2  }
0x11d: {  	_ =	sdelay $0x2  }
0x11e: {  	v40 =	vmov s28;
	s28 =	sadd.s32 $0x1, s28  }
0x11f: {  	_ =	sdelay $0x3  }
0x120: {  	v40 =	vand.u32 $0x3F, v40;
	[tilespmem:v42+s23+$0x0] =	vst.idx.msk $0xffff, v41;
	s26 =	sadd.s32 $0x280, s26  }
0x121: {  	v41 =	vld [tilespmem:s26+$0xFFFFFEC0];
	v63 =	vadd.s32 v0, v40;
	_ =	sdelay $0x4  }
0x122: {  	[tilespmem:v63+s23+$0x0] =	vst.idx.msk $0xffff, v41  }
0x123: {  	v45 =	vadd.s32 v1, v40;
	v41 =	vld [tilespmem:s26+$0xFFFFFED0];
	_ =	sdelay $0x4  }
0x124: {  	[tilespmem:v45+s23+$0x0] =	vst.idx.msk $0xffff, v41  }
0x125: {  	v46 =	vadd.s32 v2, v40;
	v41 =	vld [tilespmem:s26+$0xFFFFFEE0];
	_ =	sdelay $0x4  }
0x126: {  	[tilespmem:v46+s23+$0x0] =	vst.idx.msk $0xffff, v41  }
0x127: {  	v47 =	vadd.s32 v3, v40;
	v41 =	vld [tilespmem:s26+$0xFFFFFEF0];
	_ =	sdelay $0x4  }
0x128: {  	[tilespmem:v47+s23+$0x0] =	vst.idx.msk $0xffff, v41  }
0x129: {  	v48 =	vadd.s32 v4, v40;
	v41 =	vld [tilespmem:s26+$0xFFFFFF00];
	_ =	sdelay $0x4  }
0x12a: {  	[tilespmem:v48+s23+$0x0] =	vst.idx.msk $0xffff, v41  }
0x12b: {  	v49 =	vadd.s32 v5, v40;
	v41 =	vld [tilespmem:s26+$0xFFFFFF10];
	_ =	sdelay $0x4  }
0x12c: {  	[tilespmem:v49+s23+$0x0] =	vst.idx.msk $0xffff, v41  }
0x12d: {  	v50 =	vadd.s32 v6, v40;
	v41 =	vld [tilespmem:s26+$0xFFFFFF20];
	_ =	sdelay $0x4  }
0x12e: {  	[tilespmem:v50+s23+$0x0] =	vst.idx.msk $0xffff, v41  }
0x12f: {  	v51 =	vadd.s32 v7, v40;
	v41 =	vld [tilespmem:s26+$0xFFFFFF30];
	_ =	sdelay $0x4  }
0x130: {  	[tilespmem:v51+s23+$0x0] =	vst.idx.msk $0xffff, v41  }
0x131: {  	v52 =	vadd.s32 v8, v40;
	v41 =	vld [tilespmem:s26+$0xFFFFFF40];
	_ =	sdelay $0x4  }
0x132: {  	[tilespmem:v52+s23+$0x0] =	vst.idx.msk $0xffff, v41  }
0x133: {  	v53 =	vadd.s32 v9, v40;
	v41 =	vld [tilespmem:s26+$0xFFFFFF50];
	_ =	sdelay $0x4  }
0x134: {  	[tilespmem:v53+s23+$0x0] =	vst.idx.msk $0xffff, v41  }
0x135: {  	v54 =	vadd.s32 v10, v40;
	v41 =	vld [tilespmem:s26+$0xFFFFFF60];
	_ =	sdelay $0x4  }
0x136: {  	[tilespmem:v54+s23+$0x0] =	vst.idx.msk $0xffff, v41  }
0x137: {  	v55 =	vadd.s32 v11, v40;
	v41 =	vld [tilespmem:s26+$0xFFFFFF70];
	_ =	sdelay $0x4  }
0x138: {  	[tilespmem:v55+s23+$0x0] =	vst.idx.msk $0xffff, v41  }
0x139: {  	v56 =	vadd.s32 v12, v40;
	v41 =	vld [tilespmem:s26+$0xFFFFFF80];
	_ =	sdelay $0x4  }
0x13a: {  	[tilespmem:v56+s23+$0x0] =	vst.idx.msk $0xffff, v41  }
0x13b: {  	v57 =	vadd.s32 v13, v40;
	v41 =	vld [tilespmem:s26+$0xFFFFFF90];
	_ =	sdelay $0x4  }
0x13c: {  	[tilespmem:v57+s23+$0x0] =	vst.idx.msk $0xffff, v41  }
0x13d: {  	v58 =	vadd.s32 v14, v40;
	v41 =	vld [tilespmem:s26+$0xFFFFFFA0];
	_ =	sdelay $0x4  }
0x13e: {  	[tilespmem:v58+s23+$0x0] =	vst.idx.msk $0xffff, v41  }
0x13f: {  	v59 =	vadd.s32 v15, v40;
	v41 =	vld [tilespmem:s26+$0xFFFFFFB0];
	_ =	sdelay $0x4  }
0x140: {  	[tilespmem:v59+s23+$0x0] =	vst.idx.msk $0xffff, v41  }
0x141: {  	v60 =	vadd.s32 v16, v40;
	v41 =	vld [tilespmem:s26+$0xFFFFFFC0];
	_ =	sdelay $0x4  }
0x142: {  	[tilespmem:v60+s23+$0x0] =	vst.idx.msk $0xffff, v41  }
0x143: {  	v61 =	vadd.s32 v17, v40;
	v41 =	vld [tilespmem:s26+$0xFFFFFFD0];
	_ =	sdelay $0x4  }
0x144: {  	[tilespmem:v61+s23+$0x0] =	vst.idx.msk $0xffff, v41  }
0x145: {  	v62 =	vadd.s32 v18, v40;
	v41 =	vld [tilespmem:s26+$0xFFFFFFE0];
	_ =	sdelay $0x4  }
0x146: {  	[tilespmem:v62+s23+$0x0] =	vst.idx.msk $0xffff, v41  }
0x147: {  	v63 =	vadd.s32 v19, v40;
	v41 =	vld [tilespmem:s26+$0xFFFFFFF0];
	_ =	sdelay $0x4  }
0x148: {  	[tilespmem:v63+s23+$0x0] =	vst.idx.msk $0xffff, v41  }
0x149: {  	v45 =	vadd.s32 v20, v40;
	v41 =	vld [tilespmem:s26+$0x0];
	_ =	sdelay $0x4  }
0x14a: {  	[tilespmem:v45+s23+$0x0] =	vst.idx.msk $0xffff, v41  }
0x14b: {  	v46 =	vadd.s32 v21, v40;
	v41 =	vld [tilespmem:s26+$0x10];
	_ =	sdelay $0x4  }
0x14c: {  	[tilespmem:v46+s23+$0x0] =	vst.idx.msk $0xffff, v41  }
0x14d: {  	v47 =	vadd.s32 v22, v40;
	v41 =	vld [tilespmem:s26+$0x20];
	_ =	sdelay $0x4  }
0x14e: {  	[tilespmem:v47+s23+$0x0] =	vst.idx.msk $0xffff, v41  }
0x14f: {  	v48 =	vadd.s32 v23, v40;
	v41 =	vld [tilespmem:s26+$0x30];
	_ =	sdelay $0x4  }
0x150: {  	[tilespmem:v48+s23+$0x0] =	vst.idx.msk $0xffff, v41  }
0x151: {  	v49 =	vadd.s32 v24, v40;
	v41 =	vld [tilespmem:s26+$0x40];
	_ =	sdelay $0x4  }
0x152: {  	[tilespmem:v49+s23+$0x0] =	vst.idx.msk $0xffff, v41  }
0x153: {  	v50 =	vadd.s32 v25, v40;
	v41 =	vld [tilespmem:s26+$0x50];
	_ =	sdelay $0x4  }
0x154: {  	[tilespmem:v50+s23+$0x0] =	vst.idx.msk $0xffff, v41  }
0x155: {  	v51 =	vadd.s32 v26, v40;
	v41 =	vld [tilespmem:s26+$0x60];
	_ =	sdelay $0x4  }
0x156: {  	[tilespmem:v51+s23+$0x0] =	vst.idx.msk $0xffff, v41  }
0x157: {  	v52 =	vadd.s32 v27, v40;
	v41 =	vld [tilespmem:s26+$0x70];
	_ =	sdelay $0x4  }
0x158: {  	[tilespmem:v52+s23+$0x0] =	vst.idx.msk $0xffff, v41  }
0x159: {  	v53 =	vadd.s32 v28, v40;
	v41 =	vld [tilespmem:s26+$0x80];
	_ =	sdelay $0x4  }
0x15a: {  	[tilespmem:v53+s23+$0x0] =	vst.idx.msk $0xffff, v41  }
0x15b: {  	v54 =	vadd.s32 v29, v40;
	v41 =	vld [tilespmem:s26+$0x90];
	_ =	sdelay $0x4  }
0x15c: {  	[tilespmem:v54+s23+$0x0] =	vst.idx.msk $0xffff, v41  }
0x15d: {  	v55 =	vadd.s32 v30, v40;
	v41 =	vld [tilespmem:s26+$0xA0];
	_ =	sdelay $0x4  }
0x15e: {  	[tilespmem:v55+s23+$0x0] =	vst.idx.msk $0xffff, v41  }
0x15f: {  	v56 =	vadd.s32 v31, v40;
	v41 =	vld [tilespmem:s26+$0xB0];
	_ =	sdelay $0x4  }
0x160: {  	[tilespmem:v56+s23+$0x0] =	vst.idx.msk $0xffff, v41  }
0x161: {  	v57 =	vadd.s32 v32, v40;
	v41 =	vld [tilespmem:s26+$0xC0];
	_ =	sdelay $0x4  }
0x162: {  	[tilespmem:v57+s23+$0x0] =	vst.idx.msk $0xffff, v41  }
0x163: {  	v58 =	vadd.s32 v33, v40;
	v41 =	vld [tilespmem:s26+$0xD0];
	_ =	sdelay $0x4  }
0x164: {  	[tilespmem:v58+s23+$0x0] =	vst.idx.msk $0xffff, v41  }
0x165: {  	v59 =	vadd.s32 v34, v40;
	v41 =	vld [tilespmem:s26+$0xE0];
	_ =	sdelay $0x4  }
0x166: {  	[tilespmem:v59+s23+$0x0] =	vst.idx.msk $0xffff, v41  }
0x167: {  	v60 =	vadd.s32 v35, v40;
	v41 =	vld [tilespmem:s26+$0xF0];
	_ =	sdelay $0x4  }
0x168: {  	[tilespmem:v60+s23+$0x0] =	vst.idx.msk $0xffff, v41  }
0x169: {  	v61 =	vadd.s32 v36, v40;
	v41 =	vld [tilespmem:s26+$0x100];
	_ =	sdelay $0x4  }
0x16a: {  	[tilespmem:v61+s23+$0x0] =	vst.idx.msk $0xffff, v41  }
0x16b: {  	v62 =	vadd.s32 v37, v40;
	v41 =	vld [tilespmem:s26+$0x110];
	_ =	sdelay $0x4  }
0x16c: {  	[tilespmem:v62+s23+$0x0] =	vst.idx.msk $0xffff, v41  }
0x16d: {  	v63 =	vadd.s32 v38, v40;
	v41 =	vld [tilespmem:s26+$0x120];
	_ =	sdelay $0x4  }
0x16e: {  	[tilespmem:v63+s23+$0x0] =	vst.idx.msk $0xffff, v41  }
0x16f: {  	v40 =	vadd.s32 v39, v40;
	v41 =	vld [tilespmem:s26+$0x130];
	_ =	sdelay $0x3  }
0x170: {  	s31 =	sshll.u32 s25, $0x3  }
0x171: {  	s28 =	simm.s32 $0xF000;
	s26 =	sadd.s32 s31, s7;
	[tilespmem:v40+s23+$0x0] =	vst.idx.msk $0xffff, v41  }
0x172: {  	[hbm4b:s26+s2] =	stream.linear.scatter [tilespmem:s28], [sflag:$0x2], $0x40, $0x38;
	[tilespmem:$0x1A400] =	vst v63  }
0x173: {  	s28 =	simm.s32 $0x120  }
.LBB2_5:
0x174: {  	p0 =	sne.s32 s28, $0x2CEE0  }
.Ltmp1:
0x175: {  	_ = 	snop;
	(pc) =	sbr.rel @p0 .LBB2_5-.Ltmp1, $4  }
0x176: {  	_ = 	snop  }
0x177: {  	s29 =	sshra.s32 s28, $0x2;
	s28 =	sadd.s32 $0x120, s28  }
0x178: {  	s26 =	sadd.s32 $0x800, s26;
	s29 =	sadd.s32 $0xF000, s29  }
0x179: {  	[hbm4b:s26+s2] =	stream.linear.scatter [tilespmem:s29], [sflag:$0x2], $0x40, $0x38;
	[tilespmem:$0x1A400] =	vst v63  }
0x17a: {  	s25 =	sadd.s32 $0x1, s25  }
0x17b: {  	p0 =	sne.s32 s25, $0x8  }
.Ltmp2:
0x17c: {  	_ = 	snop;
	(pc) =	sbr.rel @p0 .LBB2_2-.Ltmp2, $4  }
0x17d: {  	_ = 	snop  }
0x17e: {  	_ =	swait.ge [sflag:s9], $0xA000  }
0x17f: {  	[sflag:s9] =	ssyncset.done $0x0  }
0x180: {  	[sflag:s9] =	ssyncadd.s32 $0xFFFF6000  }
0x181: {  	s24 =	sadd.s32 $0x1, s24  }
0x182: {  	p0 =	sne.s32 s24, s8  }
.Ltmp3:
0x183: {  	_ = 	snop;
	(pc) =	sbr.rel @p0 .LBB2_1-.Ltmp3, $1  }
0x184: {  	_ =	sdelay $0x3  }
0x185: {  	_ =	sfence.sel $0x180000  }
0x186: {  	[bflag:$0x0] =	sbarrier.arrive $0xFFFF  }
0x187: {  	p0 =	sne.s32 s0, $0x0;
	_ =	strace $0x90000047  }
0x188: {  	s0 =	sadd.s32 @!p0 $0x100000, s1;
	[bflag:$0x2] =	sbarrier.arrive $0xFFFF  }
0x189: {  	[sflag:s0] =	ssyncadd.tile.s32 @!p0 $0x1;
	_ =	shalt  }
.Lfunc_end2:
_tile_overlayer_lowered:
.L_overlay_start_2:
0x18a: {  	(tag) =	ssettag $0x2  }
0x18b: {  	s0 =	rddreg [dreg:$0x0];
	s2 =	stileid.u32  }
0x18c: {  	s1 =	rddreg [dreg:$0x1];
	p0 =	sne.s32 s2, $0x0  }
0x18d: {  	s3 =	rddreg [dreg:$0x2];
	[bflag:$0x3] =	sbarrier.arrive $0xFFFF;
	s2 =	simm.s32 @!p0 $0x1C02  }
0x18e: {  	[timem:s3], [sflag:s2] =	dma.local @!p0 [hbm:s0], s1  }
0x18f: {  	s0 =	simm.s32 @!p0 $0x2  }
0x190: {  	_ =	swait.ge @!p0 [sflag:s0], s1  }
0x191: {  	s1 =	ssub.s32 @!p0 $0x0, s1;
	[sflag:s0] =	ssyncset.done @!p0 $0x0  }
0x192: {  	[sflag:s0] =	ssyncadd.s32 @!p0 s1  }
0x193: {  	[bflag:$0x3] =	sbarrier.arrive $0xFFFF  }
0x194: {  	_ =	shalt  }

</sc_bundles>
